<compile_context>
chip_gen: v7x
topology: tpu7x:2x2x1
jax: 0.10.2.dev20260603
libtpu: 0.0.44.dev20260713+nightly
codegen_flags: <defaults>
</compile_context>

<pallas_src>
import functools

import jax
import jax.numpy as jnp
from jax import lax
from jax.experimental import pallas as pl
from jax.experimental.pallas import tpu as pltpu
from jax.experimental.pallas import tpu_sc as plsc

_L = 16


def _row_argmax(buf, n):
    iota = lax.iota(jnp.int32, _L)
    neg = jnp.full((_L,), -jnp.inf, jnp.float32)
    zero = jnp.zeros((_L,), jnp.int32)
    n_chunks = n // _L
    n_acc = 8
    unroll = 2
    n_iter = n_chunks // (n_acc * unroll)

    def body(i, carry):
        carry = list(carry)
        for u in range(unroll):
            g = i * unroll + u
            base = g * (n_acc * _L)
            gg = jnp.broadcast_to(g, (_L,))
            for j in range(n_acc):
                mv, mi = carry[2 * j], carry[2 * j + 1]
                v = buf[pl.ds(base + j * _L, _L)]
                gt = v > mv
                carry[2 * j] = jnp.where(gt, v, mv)
                carry[2 * j + 1] = jnp.where(gt, gg, mi)
        return tuple(carry)

    carry = lax.fori_loop(0, n_iter, body, (neg, zero) * n_acc)

    mv = carry[0]
    mi = carry[1] * (n_acc * _L) + iota
    for j in range(1, n_acc):
        vb = carry[2 * j]
        ib = carry[2 * j + 1] * (n_acc * _L) + j * _L + iota
        take_a = (mv > vb) | ((mv == vb) & (mi < ib))
        mv = jnp.where(take_a, mv, vb)
        mi = jnp.where(take_a, mi, ib)

    bv, bi = mv[0], mi[0]
    for l in range(1, _L):
        v, ix = mv[l], mi[l]
        take = (v > bv) | ((v == bv) & (ix < bi))
        bv = jnp.where(take, v, bv)
        bi = jnp.where(take, ix, bi)
    return bi


def _sc_argmax(probas, n_rows):
    B, T, V = probas.shape
    info = plsc.get_sparse_core_info()
    NC, NS = info.num_cores, info.num_subcores
    NW = NC * NS
    rows_per_w = n_rows // NW
    grp = 8 // rows_per_w
    mesh = plsc.VectorSubcoreMesh(core_axis_name="c", subcore_axis_name="s")

    @functools.partial(
        pl.kernel,
        mesh=mesh,
        out_type=jax.ShapeDtypeStruct((n_rows,), jnp.int32),
        scratch_types=[pltpu.VMEM((V,), jnp.float32) for _ in range(rows_per_w)]
        + [pltpu.VMEM((_L,), jnp.int32),
           pltpu.VMEM(((grp - 1) * _L,), jnp.int32),
           pltpu.VMEM_SHARED((NS * _L,), jnp.int32)]
        + [pltpu.SemaphoreType.DMA for _ in range(rows_per_w)],
    )
    def k(probas_hbm, cand_hbm, *scratch):
        bufs = scratch[:rows_per_w]
        candbuf, pbuf, shared = scratch[rows_per_w:rows_per_w + 3]
        isems = scratch[rows_per_w + 3:]
        cid = lax.axis_index("c")
        sid = lax.axis_index("s")
        wid = cid * NS + sid
        row0 = wid * rows_per_w

        ins = [
            pltpu.async_copy(probas_hbm.at[row0 + r, T - 1], bufs[r], isems[r])
            for r in range(rows_per_w)
        ]
        bests = []
        for r in range(rows_per_w):
            ins[r].wait()
            bests.append(_row_argmax(bufs[r], V))

        iota = lax.iota(jnp.int32, _L)
        q = sid % grp
        lane0 = q * rows_per_w
        v = jnp.zeros((_L,), jnp.int32)
        for r in range(rows_per_w):
            v = jnp.where(iota == lane0 + r, bests[r], v)
        candbuf[pl.ds(0, _L)] = v
        pltpu.sync_copy(candbuf, shared.at[pl.ds(sid * _L, _L)])
        plsc.subcore_barrier()

        @pl.when(q == 0)
        def _():
            pltpu.sync_copy(
                shared.at[pl.ds((sid + 1) * _L, (grp - 1) * _L)], pbuf)
            merged = v
            for p in range(1, grp):
                vp = pbuf[pl.ds((p - 1) * _L, _L)]
                mask = (iota >= p * rows_per_w) & (iota < (p + 1) * rows_per_w)
                merged = jnp.where(mask, vp, merged)
            candbuf[pl.ds(0, _L)] = merged
            grp_base = (wid // grp) * 8
            pltpu.sync_copy(candbuf.at[pl.ds(0, 8)],
                            cand_hbm.at[pl.ds(grp_base, 8)])

    return k(probas)


def _dist_copy_and_upper_argmax(probas, row_split):
    B, T, V = probas.shape
    blk = 8
    nblk = B // blk
    n_hi = B - row_split

    def body(in_ref, dist_ref, cand_ref, vbuf, vcand, insem, outsem, csem):
        ins = []
        for c in range(nblk):
            cp = pltpu.make_async_copy(
                in_ref.at[pl.ds(c * blk, blk), T - 1],
                vbuf.at[pl.ds(c * blk, blk)], insem)
            cp.start()
            ins.append(cp)
        outs = []
        iota2d = lax.broadcasted_iota(jnp.int32, (blk, V), 1)
        big = jnp.int32(2**30)
        for c in range(nblk):
            ins[c].wait()
            cp = pltpu.make_async_copy(
                vbuf.at[pl.ds(c * blk, blk)],
                dist_ref.at[pl.ds(c * blk, blk)], outsem)
            cp.start()
            outs.append(cp)
            if c * blk >= row_split:
                x = vbuf[pl.ds(c * blk, blk), :]
                mx = jnp.max(x, axis=1, keepdims=True)
                mi = jnp.min(jnp.where(x == mx, iota2d, big), axis=1,
                             keepdims=True)
                vcand[pl.ds(c * blk - row_split, blk), :] = mi
        ccp = pltpu.make_async_copy(vcand, cand_ref, csem)
        ccp.start()
        ccp.wait()
        for cp in outs:
            cp.wait()

    return pl.pallas_call(
        body,
        in_specs=[pl.BlockSpec(memory_space=pltpu.MemorySpace.HBM)],
        out_specs=[pl.BlockSpec(memory_space=pltpu.MemorySpace.HBM),
                   pl.BlockSpec(memory_space=pltpu.MemorySpace.HBM)],
        scratch_shapes=[pltpu.VMEM((B, V), jnp.float32),
                        pltpu.VMEM((n_hi, 1), jnp.int32),
                        pltpu.SemaphoreType.DMA,
                        pltpu.SemaphoreType.DMA,
                        pltpu.SemaphoreType.DMA],
        out_shape=[jax.ShapeDtypeStruct((B, V), jnp.float32),
                   jax.ShapeDtypeStruct((n_hi, 1), jnp.int32)],
    )(probas)


@jax.jit
def _candidate(probas):
    B = probas.shape[0]
    split = B // 4
    dist, cand_hi = _dist_copy_and_upper_argmax(probas, split)
    cand_lo = _sc_argmax(probas, split)
    candidate = jnp.concatenate(
        [cand_lo, cand_hi.reshape(B - split)]).reshape(B, 1)
    return candidate, dist


def kernel(probas, greedy):
    del greedy
    return _candidate(probas)

# --- scband reference (transcript-rebuilt; emitter-appended) ---
"""Pipeline reference for scband-candidate-generator-17910013624898 (READ-ONLY COPY).

The authoritative reference and input builder live on the scoring server;
editing this copy changes nothing except your own understanding.
"""

import jax, jax.numpy as jnp
import numpy as np


def setup_inputs(seed: int = 0) -> dict:
    key = jax.random.key(seed)
    probas = jax.random.uniform(key, (128, 32, 8192), dtype=jnp.float32)
    return {"probas": probas, "greedy": True}


def reference(probas, greedy):
    batch_size = probas.shape[0]
    probas_dist = probas[:, -1, :]
    # greedy=True path: argmax over candidate dimension
    candidate = jnp.argmax(probas_dist, axis=1)
    candidate = candidate.reshape(batch_size, 1)
    return (candidate, probas_dist)

if __name__ == "__main__":
    import jax
    _d = setup_inputs()
    print(jax.jit(kernel)(*tuple(_d.values())))

</pallas_src>

<mosaic_0001>
#map = affine_map<(d0, d1) -> (0, 0, 0)>
#map1 = affine_map<(d0, d1) -> (0)>
module attributes {stable_mosaic.version = 14 : i64} {
  func.func @k(%arg0: i32, %arg1: i32, %arg2: memref<128x32x8192xf32, #tpu.memory_space<hbm>>, %arg3: memref<32xi32, #tpu.memory_space<hbm>>, %arg4: memref<8192xf32, #tpu.memory_space<vmem>>, %arg5: memref<16xi32, #tpu.memory_space<vmem>>, %arg6: memref<112xi32, #tpu.memory_space<vmem>>, %arg7: memref<256xi32, #tpu.memory_space<vmem_shared>>, %arg8: memref<!tpu.dma_semaphore, #tpu.memory_space<semaphore_mem>>) attributes {dimension_semantics = [#tpu.dimension_semantics<core_parallel>, #tpu.dimension_semantics<subcore_parallel>], iteration_bounds = array<i64: 2, 16>, scalar_prefetch = 0 : i64, scratch_operands = 5 : i64, tpu.core_type = #tpu.core_type<sc_vector_subcore>, window_params = [{transform_indices = #map}, {transform_indices = #map1}]} {
    %mul3A = arith.constant 16 : i32
    %mul3A_0 = arith.muli %arg0, %mul3A : i32
    %add3A = arith.addi %mul3A_0, %arg1 : i32
    %mul3A_1 = arith.constant 1 : i32
    %mul3A_2 = arith.muli %add3A, %mul3A_1 : i32
    %add3A_3 = arith.constant 0 : i32
    %add3A_4 = arith.addi %mul3A_2, %add3A_3 : i32
    %dma_start3A = arith.constant 31 : i32
    %dma_start3A_5 = arith.constant 0 : i32
    %dma_start3A_6 = tpu.memref_slice %arg2[%add3A_4, %dma_start3A, %dma_start3A_5] : memref<128x32x8192xf32, #tpu.memory_space<hbm>> -> memref<1x1x8192xf32, #tpu.memory_space<hbm>>
    %dma_start3A_7 = tpu.memref_squeeze %dma_start3A_6 : memref<1x1x8192xf32, #tpu.memory_space<hbm>> -> memref<8192xf32, #tpu.memory_space<hbm>>
    %dma_start3A_8 = arith.constant 0 : i32
    %dma_start3A_9 = tpu.memref_slice %arg2[%add3A_4, %dma_start3A, %dma_start3A_8] : memref<128x32x8192xf32, #tpu.memory_space<hbm>> -> memref<1x1x8192xf32, #tpu.memory_space<hbm>>
    %dma_start3A_10 = tpu.memref_squeeze %dma_start3A_9 : memref<1x1x8192xf32, #tpu.memory_space<hbm>> -> memref<8192xf32, #tpu.memory_space<hbm>>
    tpu.enqueue_dma source(%dma_start3A_10 : memref<8192xf32, #tpu.memory_space<hbm>>) target(%arg4 : memref<8192xf32, #tpu.memory_space<vmem>>) target_semaphore(%arg8 : memref<!tpu.dma_semaphore, #tpu.memory_space<semaphore_mem>>)
    %dma_wait3A = arith.constant 31 : i32
    %dma_wait3A_11 = arith.constant 0 : i32
    %dma_wait3A_12 = tpu.memref_slice %arg2[%add3A_4, %dma_wait3A, %dma_wait3A_11] : memref<128x32x8192xf32, #tpu.memory_space<hbm>> -> memref<1x1x8192xf32, #tpu.memory_space<hbm>>
    %dma_wait3A_13 = tpu.memref_squeeze %dma_wait3A_12 : memref<1x1x8192xf32, #tpu.memory_space<hbm>> -> memref<8192xf32, #tpu.memory_space<hbm>>
    %dma_wait3A_14 = arith.constant 0 : i32
    %dma_wait3A_15 = tpu.memref_slice %arg2[%add3A_4, %dma_wait3A, %dma_wait3A_14] : memref<128x32x8192xf32, #tpu.memory_space<hbm>> -> memref<1x1x8192xf32, #tpu.memory_space<hbm>>
    %dma_wait3A_16 = tpu.memref_squeeze %dma_wait3A_15 : memref<1x1x8192xf32, #tpu.memory_space<hbm>> -> memref<8192xf32, #tpu.memory_space<hbm>>
    tpu.wait_dma2 semaphore(%arg8 : memref<!tpu.dma_semaphore, #tpu.memory_space<semaphore_mem>>) src(%dma_wait3A_16 : memref<8192xf32, #tpu.memory_space<hbm>>) dst(%arg4 : memref<8192xf32, #tpu.memory_space<vmem>>)
    %iota3A = tpu.iota {dimensions = array<i32: 0>} : vector<16xi32>
    %broadcast_in_dim3A = arith.constant 0xFF800000 : f32
    %broadcast_in_dim3A_17 = vector.broadcast %broadcast_in_dim3A : f32 to vector<16xf32>
    %broadcast_in_dim3A_18 = arith.constant 0 : i32
    %broadcast_in_dim3A_19 = vector.broadcast %broadcast_in_dim3A_18 : i32 to vector<16xi32>
    %scan3A = arith.constant 0 : i32
    %scan3A_20 = arith.constant 32 : i32
    %scan3A_21 = arith.addi %scan3A, %scan3A_20 : i32
    %scan3A_22 = arith.constant 1 : i32
    %scan3A_23:16 = scf.for %scan3A_320 = %scan3A to %scan3A_21 step %scan3A_22 iter_args(%scan3A_321 = %broadcast_in_dim3A_17, %scan3A_322 = %broadcast_in_dim3A_19, %scan3A_323 = %broadcast_in_dim3A_17, %scan3A_324 = %broadcast_in_dim3A_19, %scan3A_325 = %broadcast_in_dim3A_17, %scan3A_326 = %broadcast_in_dim3A_19, %scan3A_327 = %broadcast_in_dim3A_17, %scan3A_328 = %broadcast_in_dim3A_19, %scan3A_329 = %broadcast_in_dim3A_17, %scan3A_330 = %broadcast_in_dim3A_19, %scan3A_331 = %broadcast_in_dim3A_17, %scan3A_332 = %broadcast_in_dim3A_19, %scan3A_333 = %broadcast_in_dim3A_17, %scan3A_334 = %broadcast_in_dim3A_19, %scan3A_335 = %broadcast_in_dim3A_17, %scan3A_336 = %broadcast_in_dim3A_19) -> (vector<16xf32>, vector<16xi32>, vector<16xf32>, vector<16xi32>, vector<16xf32>, vector<16xi32>, vector<16xf32>, vector<16xi32>, vector<16xf32>, vector<16xi32>, vector<16xf32>, vector<16xi32>, vector<16xf32>, vector<16xi32>, vector<16xf32>, vector<16xi32>)  : i32 {
      %mul3A_337 = arith.constant 2 : i32
      %mul3A_338 = arith.muli %scan3A_320, %mul3A_337 : i32
      %add3A_339 = arith.constant 0 : i32
      %add3A_340 = arith.addi %mul3A_338, %add3A_339 : i32
      %mul3A_341 = arith.constant 128 : i32
      %mul3A_342 = arith.muli %add3A_340, %mul3A_341 : i32
      %broadcast_in_dim3A_343 = vector.broadcast %add3A_340 : i32 to vector<16xi32>
      %add3A_344 = arith.constant 0 : i32
      %add3A_345 = arith.addi %mul3A_342, %add3A_344 : i32
      %get3A = arith.index_cast %add3A_345 : i32 to index
      %get3A_346 = tpu.vector_load %arg4[%get3A] {strides = array<i32>} : memref<8192xf32, #tpu.memory_space<vmem>>, vector<16xf32>,
      %get3A_347 = vector.shape_cast %get3A_346 : vector<16xf32> to vector<16xf32>
      %gt3A_348 = arith.cmpf ogt, %get3A_347, %scan3A_321 : vector<16xf32>
      %select_n3A_349 = arith.select %gt3A_348, %get3A_347, %scan3A_321 : vector<16xi1>, vector<16xf32>
      %select_n3A_350 = arith.select %gt3A_348, %broadcast_in_dim3A_343, %scan3A_322 : vector<16xi1>, vector<16xi32>
      %add3A_351 = arith.constant 16 : i32
      %add3A_352 = arith.addi %mul3A_342, %add3A_351 : i32
      %get3A_353 = arith.index_cast %add3A_352 : i32 to index
      %get3A_354 = tpu.vector_load %arg4[%get3A_353] {strides = array<i32>} : memref<8192xf32, #tpu.memory_space<vmem>>, vector<16xf32>,
      %get3A_355 = vector.shape_cast %get3A_354 : vector<16xf32> to vector<16xf32>
      %gt3A_356 = arith.cmpf ogt, %get3A_355, %scan3A_323 : vector<16xf32>
      %select_n3A_357 = arith.select %gt3A_356, %get3A_355, %scan3A_323 : vector<16xi1>, vector<16xf32>
      %select_n3A_358 = arith.select %gt3A_356, %broadcast_in_dim3A_343, %scan3A_324 : vector<16xi1>, vector<16xi32>
      %add3A_359 = arith.constant 32 : i32
      %add3A_360 = arith.addi %mul3A_342, %add3A_359 : i32
      %get3A_361 = arith.index_cast %add3A_360 : i32 to index
      %get3A_362 = tpu.vector_load %arg4[%get3A_361] {strides = array<i32>} : memref<8192xf32, #tpu.memory_space<vmem>>, vector<16xf32>,
      %get3A_363 = vector.shape_cast %get3A_362 : vector<16xf32> to vector<16xf32>
      %gt3A_364 = arith.cmpf ogt, %get3A_363, %scan3A_325 : vector<16xf32>
      %select_n3A_365 = arith.select %gt3A_364, %get3A_363, %scan3A_325 : vector<16xi1>, vector<16xf32>
      %select_n3A_366 = arith.select %gt3A_364, %broadcast_in_dim3A_343, %scan3A_326 : vector<16xi1>, vector<16xi32>
      %add3A_367 = arith.constant 48 : i32
      %add3A_368 = arith.addi %mul3A_342, %add3A_367 : i32
      %get3A_369 = arith.index_cast %add3A_368 : i32 to index
      %get3A_370 = tpu.vector_load %arg4[%get3A_369] {strides = array<i32>} : memref<8192xf32, #tpu.memory_space<vmem>>, vector<16xf32>,
      %get3A_371 = vector.shape_cast %get3A_370 : vector<16xf32> to vector<16xf32>
      %gt3A_372 = arith.cmpf ogt, %get3A_371, %scan3A_327 : vector<16xf32>
      %select_n3A_373 = arith.select %gt3A_372, %get3A_371, %scan3A_327 : vector<16xi1>, vector<16xf32>
      %select_n3A_374 = arith.select %gt3A_372, %broadcast_in_dim3A_343, %scan3A_328 : vector<16xi1>, vector<16xi32>
      %add3A_375 = arith.constant 64 : i32
      %add3A_376 = arith.addi %mul3A_342, %add3A_375 : i32
      %get3A_377 = arith.index_cast %add3A_376 : i32 to index
      %get3A_378 = tpu.vector_load %arg4[%get3A_377] {strides = array<i32>} : memref<8192xf32, #tpu.memory_space<vmem>>, vector<16xf32>,
      %get3A_379 = vector.shape_cast %get3A_378 : vector<16xf32> to vector<16xf32>
      %gt3A_380 = arith.cmpf ogt, %get3A_379, %scan3A_329 : vector<16xf32>
      %select_n3A_381 = arith.select %gt3A_380, %get3A_379, %scan3A_329 : vector<16xi1>, vector<16xf32>
      %select_n3A_382 = arith.select %gt3A_380, %broadcast_in_dim3A_343, %scan3A_330 : vector<16xi1>, vector<16xi32>
      %add3A_383 = arith.constant 80 : i32
      %add3A_384 = arith.addi %mul3A_342, %add3A_383 : i32
      %get3A_385 = arith.index_cast %add3A_384 : i32 to index
      %get3A_386 = tpu.vector_load %arg4[%get3A_385] {strides = array<i32>} : memref<8192xf32, #tpu.memory_space<vmem>>, vector<16xf32>,
      %get3A_387 = vector.shape_cast %get3A_386 : vector<16xf32> to vector<16xf32>
      %gt3A_388 = arith.cmpf ogt, %get3A_387, %scan3A_331 : vector<16xf32>
      %select_n3A_389 = arith.select %gt3A_388, %get3A_387, %scan3A_331 : vector<16xi1>, vector<16xf32>
      %select_n3A_390 = arith.select %gt3A_388, %broadcast_in_dim3A_343, %scan3A_332 : vector<16xi1>, vector<16xi32>
      %add3A_391 = arith.constant 96 : i32
      %add3A_392 = arith.addi %mul3A_342, %add3A_391 : i32
      %get3A_393 = arith.index_cast %add3A_392 : i32 to index
      %get3A_394 = tpu.vector_load %arg4[%get3A_393] {strides = array<i32>} : memref<8192xf32, #tpu.memory_space<vmem>>, vector<16xf32>,
      %get3A_395 = vector.shape_cast %get3A_394 : vector<16xf32> to vector<16xf32>
      %gt3A_396 = arith.cmpf ogt, %get3A_395, %scan3A_333 : vector<16xf32>
      %select_n3A_397 = arith.select %gt3A_396, %get3A_395, %scan3A_333 : vector<16xi1>, vector<16xf32>
      %select_n3A_398 = arith.select %gt3A_396, %broadcast_in_dim3A_343, %scan3A_334 : vector<16xi1>, vector<16xi32>
      %add3A_399 = arith.constant 112 : i32
      %add3A_400 = arith.addi %mul3A_342, %add3A_399 : i32
      %get3A_401 = arith.index_cast %add3A_400 : i32 to index
      %get3A_402 = tpu.vector_load %arg4[%get3A_401] {strides = array<i32>} : memref<8192xf32, #tpu.memory_space<vmem>>, vector<16xf32>,
      %get3A_403 = vector.shape_cast %get3A_402 : vector<16xf32> to vector<16xf32>
      %gt3A_404 = arith.cmpf ogt, %get3A_403, %scan3A_335 : vector<16xf32>
      %select_n3A_405 = arith.select %gt3A_404, %get3A_403, %scan3A_335 : vector<16xi1>, vector<16xf32>
      %select_n3A_406 = arith.select %gt3A_404, %broadcast_in_dim3A_343, %scan3A_336 : vector<16xi1>, vector<16xi32>
      %mul3A_407 = arith.constant 2 : i32
      %mul3A_408 = arith.muli %scan3A_320, %mul3A_407 : i32
      %add3A_409 = arith.constant 1 : i32
      %add3A_410 = arith.addi %mul3A_408, %add3A_409 : i32
      %mul3A_411 = arith.constant 128 : i32
      %mul3A_412 = arith.muli %add3A_410, %mul3A_411 : i32
      %broadcast_in_dim3A_413 = vector.broadcast %add3A_410 : i32 to vector<16xi32>
      %add3A_414 = arith.constant 0 : i32
      %add3A_415 = arith.addi %mul3A_412, %add3A_414 : i32
      %get3A_416 = arith.index_cast %add3A_415 : i32 to index
      %get3A_417 = tpu.vector_load %arg4[%get3A_416] {strides = array<i32>} : memref<8192xf32, #tpu.memory_space<vmem>>, vector<16xf32>,
      %get3A_418 = vector.shape_cast %get3A_417 : vector<16xf32> to vector<16xf32>
      %gt3A_419 = arith.cmpf ogt, %get3A_418, %select_n3A_349 : vector<16xf32>
      %select_n3A_420 = arith.select %gt3A_419, %get3A_418, %select_n3A_349 : vector<16xi1>, vector<16xf32>
      %select_n3A_421 = arith.select %gt3A_419, %broadcast_in_dim3A_413, %select_n3A_350 : vector<16xi1>, vector<16xi32>
      %add3A_422 = arith.constant 16 : i32
      %add3A_423 = arith.addi %mul3A_412, %add3A_422 : i32
      %get3A_424 = arith.index_cast %add3A_423 : i32 to index
      %get3A_425 = tpu.vector_load %arg4[%get3A_424] {strides = array<i32>} : memref<8192xf32, #tpu.memory_space<vmem>>, vector<16xf32>,
      %get3A_426 = vector.shape_cast %get3A_425 : vector<16xf32> to vector<16xf32>
      %gt3A_427 = arith.cmpf ogt, %get3A_426, %select_n3A_357 : vector<16xf32>
      %select_n3A_428 = arith.select %gt3A_427, %get3A_426, %select_n3A_357 : vector<16xi1>, vector<16xf32>
      %select_n3A_429 = arith.select %gt3A_427, %broadcast_in_dim3A_413, %select_n3A_358 : vector<16xi1>, vector<16xi32>
      %add3A_430 = arith.constant 32 : i32
      %add3A_431 = arith.addi %mul3A_412, %add3A_430 : i32
      %get3A_432 = arith.index_cast %add3A_431 : i32 to index
      %get3A_433 = tpu.vector_load %arg4[%get3A_432] {strides = array<i32>} : memref<8192xf32, #tpu.memory_space<vmem>>, vector<16xf32>,
      %get3A_434 = vector.shape_cast %get3A_433 : vector<16xf32> to vector<16xf32>
      %gt3A_435 = arith.cmpf ogt, %get3A_434, %select_n3A_365 : vector<16xf32>
      %select_n3A_436 = arith.select %gt3A_435, %get3A_434, %select_n3A_365 : vector<16xi1>, vector<16xf32>
      %select_n3A_437 = arith.select %gt3A_435, %broadcast_in_dim3A_413, %select_n3A_366 : vector<16xi1>, vector<16xi32>
      %add3A_438 = arith.constant 48 : i32
      %add3A_439 = arith.addi %mul3A_412, %add3A_438 : i32
      %get3A_440 = arith.index_cast %add3A_439 : i32 to index
      %get3A_441 = tpu.vector_load %arg4[%get3A_440] {strides = array<i32>} : memref<8192xf32, #tpu.memory_space<vmem>>, vector<16xf32>,
      %get3A_442 = vector.shape_cast %get3A_441 : vector<16xf32> to vector<16xf32>
      %gt3A_443 = arith.cmpf ogt, %get3A_442, %select_n3A_373 : vector<16xf32>
      %select_n3A_444 = arith.select %gt3A_443, %get3A_442, %select_n3A_373 : vector<16xi1>, vector<16xf32>
      %select_n3A_445 = arith.select %gt3A_443, %broadcast_in_dim3A_413, %select_n3A_374 : vector<16xi1>, vector<16xi32>
      %add3A_446 = arith.constant 64 : i32
      %add3A_447 = arith.addi %mul3A_412, %add3A_446 : i32
      %get3A_448 = arith.index_cast %add3A_447 : i32 to index
      %get3A_449 = tpu.vector_load %arg4[%get3A_448] {strides = array<i32>} : memref<8192xf32, #tpu.memory_space<vmem>>, vector<16xf32>,
      %get3A_450 = vector.shape_cast %get3A_449 : vector<16xf32> to vector<16xf32>
      %gt3A_451 = arith.cmpf ogt, %get3A_450, %select_n3A_381 : vector<16xf32>
      %select_n3A_452 = arith.select %gt3A_451, %get3A_450, %select_n3A_381 : vector<16xi1>, vector<16xf32>
      %select_n3A_453 = arith.select %gt3A_451, %broadcast_in_dim3A_413, %select_n3A_382 : vector<16xi1>, vector<16xi32>
      %add3A_454 = arith.constant 80 : i32
      %add3A_455 = arith.addi %mul3A_412, %add3A_454 : i32
      %get3A_456 = arith.index_cast %add3A_455 : i32 to index
      %get3A_457 = tpu.vector_load %arg4[%get3A_456] {strides = array<i32>} : memref<8192xf32, #tpu.memory_space<vmem>>, vector<16xf32>,
      %get3A_458 = vector.shape_cast %get3A_457 : vector<16xf32> to vector<16xf32>
      %gt3A_459 = arith.cmpf ogt, %get3A_458, %select_n3A_389 : vector<16xf32>
      %select_n3A_460 = arith.select %gt3A_459, %get3A_458, %select_n3A_389 : vector<16xi1>, vector<16xf32>
      %select_n3A_461 = arith.select %gt3A_459, %broadcast_in_dim3A_413, %select_n3A_390 : vector<16xi1>, vector<16xi32>
      %add3A_462 = arith.constant 96 : i32
      %add3A_463 = arith.addi %mul3A_412, %add3A_462 : i32
      %get3A_464 = arith.index_cast %add3A_463 : i32 to index
      %get3A_465 = tpu.vector_load %arg4[%get3A_464] {strides = array<i32>} : memref<8192xf32, #tpu.memory_space<vmem>>, vector<16xf32>,
      %get3A_466 = vector.shape_cast %get3A_465 : vector<16xf32> to vector<16xf32>
      %gt3A_467 = arith.cmpf ogt, %get3A_466, %select_n3A_397 : vector<16xf32>
      %select_n3A_468 = arith.select %gt3A_467, %get3A_466, %select_n3A_397 : vector<16xi1>, vector<16xf32>
      %select_n3A_469 = arith.select %gt3A_467, %broadcast_in_dim3A_413, %select_n3A_398 : vector<16xi1>, vector<16xi32>
      %add3A_470 = arith.constant 112 : i32
      %add3A_471 = arith.addi %mul3A_412, %add3A_470 : i32
      %get3A_472 = arith.index_cast %add3A_471 : i32 to index
      %get3A_473 = tpu.vector_load %arg4[%get3A_472] {strides = array<i32>} : memref<8192xf32, #tpu.memory_space<vmem>>, vector<16xf32>,
      %get3A_474 = vector.shape_cast %get3A_473 : vector<16xf32> to vector<16xf32>
      %gt3A_475 = arith.cmpf ogt, %get3A_474, %select_n3A_405 : vector<16xf32>
      %select_n3A_476 = arith.select %gt3A_475, %get3A_474, %select_n3A_405 : vector<16xi1>, vector<16xf32>
      %select_n3A_477 = arith.select %gt3A_475, %broadcast_in_dim3A_413, %select_n3A_406 : vector<16xi1>, vector<16xi32>
      scf.yield %select_n3A_420, %select_n3A_421, %select_n3A_428, %select_n3A_429, %select_n3A_436, %select_n3A_437, %select_n3A_444, %select_n3A_445, %select_n3A_452, %select_n3A_453, %select_n3A_460, %select_n3A_461, %select_n3A_468, %select_n3A_469, %select_n3A_476, %select_n3A_477 : vector<16xf32>, vector<16xi32>, vector<16xf32>, vector<16xi32>, vector<16xf32>, vector<16xi32>, vector<16xf32>, vector<16xi32>, vector<16xf32>, vector<16xi32>, vector<16xf32>, vector<16xi32>, vector<16xf32>, vector<16xi32>, vector<16xf32>, vector<16xi32>
    }
    %scan3A_24 = arith.constant 32 : i32
    %mul3A_25 = arith.constant 128 : i32
    %mul3A_26 = vector.broadcast %mul3A_25 : i32 to vector<16xi32>
    %mul3A_27 = arith.muli %scan3A_23#1, %mul3A_26 : vector<16xi32>
    %add3A_28 = arith.addi %mul3A_27, %iota3A : vector<16xi32>
    %mul3A_29 = arith.constant 128 : i32
    %mul3A_30 = vector.broadcast %mul3A_29 : i32 to vector<16xi32>
    %mul3A_31 = arith.muli %scan3A_23#3, %mul3A_30 : vector<16xi32>
    %add3A_32 = arith.constant 16 : i32
    %add3A_33 = vector.broadcast %add3A_32 : i32 to vector<16xi32>
    %add3A_34 = arith.addi %mul3A_31, %add3A_33 : vector<16xi32>
    %add3A_35 = arith.addi %add3A_34, %iota3A : vector<16xi32>
    %gt3A = arith.cmpf ogt, %scan3A_23#0, %scan3A_23#2 : vector<16xf32>
    %eq3A = arith.cmpf oeq, %scan3A_23#0, %scan3A_23#2 : vector<16xf32>
    %lt3A = arith.cmpi slt, %add3A_28, %add3A_35 : vector<16xi32>
    %and3A = arith.andi %eq3A, %lt3A : vector<16xi1>
    %or3A = arith.ori %gt3A, %and3A : vector<16xi1>
    %select_n3A = arith.select %or3A, %scan3A_23#0, %scan3A_23#2 : vector<16xi1>, vector<16xf32>
    %select_n3A_36 = arith.select %or3A, %add3A_28, %add3A_35 : vector<16xi1>, vector<16xi32>
    %mul3A_37 = arith.constant 128 : i32
    %mul3A_38 = vector.broadcast %mul3A_37 : i32 to vector<16xi32>
    %mul3A_39 = arith.muli %scan3A_23#5, %mul3A_38 : vector<16xi32>
    %add3A_40 = arith.constant 32 : i32
    %add3A_41 = vector.broadcast %add3A_40 : i32 to vector<16xi32>
    %add3A_42 = arith.addi %mul3A_39, %add3A_41 : vector<16xi32>
    %add3A_43 = arith.addi %add3A_42, %iota3A : vector<16xi32>
    %gt3A_44 = arith.cmpf ogt, %select_n3A, %scan3A_23#4 : vector<16xf32>
    %eq3A_45 = arith.cmpf oeq, %select_n3A, %scan3A_23#4 : vector<16xf32>
    %lt3A_46 = arith.cmpi slt, %select_n3A_36, %add3A_43 : vector<16xi32>
    %and3A_47 = arith.andi %eq3A_45, %lt3A_46 : vector<16xi1>
    %or3A_48 = arith.ori %gt3A_44, %and3A_47 : vector<16xi1>
    %select_n3A_49 = arith.select %or3A_48, %select_n3A, %scan3A_23#4 : vector<16xi1>, vector<16xf32>
    %select_n3A_50 = arith.select %or3A_48, %select_n3A_36, %add3A_43 : vector<16xi1>, vector<16xi32>
    %mul3A_51 = arith.constant 128 : i32
    %mul3A_52 = vector.broadcast %mul3A_51 : i32 to vector<16xi32>
    %mul3A_53 = arith.muli %scan3A_23#7, %mul3A_52 : vector<16xi32>
    %add3A_54 = arith.constant 48 : i32
    %add3A_55 = vector.broadcast %add3A_54 : i32 to vector<16xi32>
    %add3A_56 = arith.addi %mul3A_53, %add3A_55 : vector<16xi32>
    %add3A_57 = arith.addi %add3A_56, %iota3A : vector<16xi32>
    %gt3A_58 = arith.cmpf ogt, %select_n3A_49, %scan3A_23#6 : vector<16xf32>
    %eq3A_59 = arith.cmpf oeq, %select_n3A_49, %scan3A_23#6 : vector<16xf32>
    %lt3A_60 = arith.cmpi slt, %select_n3A_50, %add3A_57 : vector<16xi32>
    %and3A_61 = arith.andi %eq3A_59, %lt3A_60 : vector<16xi1>
    %or3A_62 = arith.ori %gt3A_58, %and3A_61 : vector<16xi1>
    %select_n3A_63 = arith.select %or3A_62, %select_n3A_49, %scan3A_23#6 : vector<16xi1>, vector<16xf32>
    %select_n3A_64 = arith.select %or3A_62, %select_n3A_50, %add3A_57 : vector<16xi1>, vector<16xi32>
    %mul3A_65 = arith.constant 128 : i32
    %mul3A_66 = vector.broadcast %mul3A_65 : i32 to vector<16xi32>
    %mul3A_67 = arith.muli %scan3A_23#9, %mul3A_66 : vector<16xi32>
    %add3A_68 = arith.constant 64 : i32
    %add3A_69 = vector.broadcast %add3A_68 : i32 to vector<16xi32>
    %add3A_70 = arith.addi %mul3A_67, %add3A_69 : vector<16xi32>
    %add3A_71 = arith.addi %add3A_70, %iota3A : vector<16xi32>
    %gt3A_72 = arith.cmpf ogt, %select_n3A_63, %scan3A_23#8 : vector<16xf32>
    %eq3A_73 = arith.cmpf oeq, %select_n3A_63, %scan3A_23#8 : vector<16xf32>
    %lt3A_74 = arith.cmpi slt, %select_n3A_64, %add3A_71 : vector<16xi32>
    %and3A_75 = arith.andi %eq3A_73, %lt3A_74 : vector<16xi1>
    %or3A_76 = arith.ori %gt3A_72, %and3A_75 : vector<16xi1>
    %select_n3A_77 = arith.select %or3A_76, %select_n3A_63, %scan3A_23#8 : vector<16xi1>, vector<16xf32>
    %select_n3A_78 = arith.select %or3A_76, %select_n3A_64, %add3A_71 : vector<16xi1>, vector<16xi32>
    %mul3A_79 = arith.constant 128 : i32
    %mul3A_80 = vector.broadcast %mul3A_79 : i32 to vector<16xi32>
    %mul3A_81 = arith.muli %scan3A_23#11, %mul3A_80 : vector<16xi32>
    %add3A_82 = arith.constant 80 : i32
    %add3A_83 = vector.broadcast %add3A_82 : i32 to vector<16xi32>
    %add3A_84 = arith.addi %mul3A_81, %add3A_83 : vector<16xi32>
    %add3A_85 = arith.addi %add3A_84, %iota3A : vector<16xi32>
    %gt3A_86 = arith.cmpf ogt, %select_n3A_77, %scan3A_23#10 : vector<16xf32>
    %eq3A_87 = arith.cmpf oeq, %select_n3A_77, %scan3A_23#10 : vector<16xf32>
    %lt3A_88 = arith.cmpi slt, %select_n3A_78, %add3A_85 : vector<16xi32>
    %and3A_89 = arith.andi %eq3A_87, %lt3A_88 : vector<16xi1>
    %or3A_90 = arith.ori %gt3A_86, %and3A_89 : vector<16xi1>
    %select_n3A_91 = arith.select %or3A_90, %select_n3A_77, %scan3A_23#10 : vector<16xi1>, vector<16xf32>
    %select_n3A_92 = arith.select %or3A_90, %select_n3A_78, %add3A_85 : vector<16xi1>, vector<16xi32>
    %mul3A_93 = arith.constant 128 : i32
    %mul3A_94 = vector.broadcast %mul3A_93 : i32 to vector<16xi32>
    %mul3A_95 = arith.muli %scan3A_23#13, %mul3A_94 : vector<16xi32>
    %add3A_96 = arith.constant 96 : i32
    %add3A_97 = vector.broadcast %add3A_96 : i32 to vector<16xi32>
    %add3A_98 = arith.addi %mul3A_95, %add3A_97 : vector<16xi32>
    %add3A_99 = arith.addi %add3A_98, %iota3A : vector<16xi32>
    %gt3A_100 = arith.cmpf ogt, %select_n3A_91, %scan3A_23#12 : vector<16xf32>
    %eq3A_101 = arith.cmpf oeq, %select_n3A_91, %scan3A_23#12 : vector<16xf32>
    %lt3A_102 = arith.cmpi slt, %select_n3A_92, %add3A_99 : vector<16xi32>
    %and3A_103 = arith.andi %eq3A_101, %lt3A_102 : vector<16xi1>
    %or3A_104 = arith.ori %gt3A_100, %and3A_103 : vector<16xi1>
    %select_n3A_105 = arith.select %or3A_104, %select_n3A_91, %scan3A_23#12 : vector<16xi1>, vector<16xf32>
    %select_n3A_106 = arith.select %or3A_104, %select_n3A_92, %add3A_99 : vector<16xi1>, vector<16xi32>
    %mul3A_107 = arith.constant 128 : i32
    %mul3A_108 = vector.broadcast %mul3A_107 : i32 to vector<16xi32>
    %mul3A_109 = arith.muli %scan3A_23#15, %mul3A_108 : vector<16xi32>
    %add3A_110 = arith.constant 112 : i32
    %add3A_111 = vector.broadcast %add3A_110 : i32 to vector<16xi32>
    %add3A_112 = arith.addi %mul3A_109, %add3A_111 : vector<16xi32>
    %add3A_113 = arith.addi %add3A_112, %iota3A : vector<16xi32>
    %gt3A_114 = arith.cmpf ogt, %select_n3A_105, %scan3A_23#14 : vector<16xf32>
    %eq3A_115 = arith.cmpf oeq, %select_n3A_105, %scan3A_23#14 : vector<16xf32>
    %lt3A_116 = arith.cmpi slt, %select_n3A_106, %add3A_113 : vector<16xi32>
    %and3A_117 = arith.andi %eq3A_115, %lt3A_116 : vector<16xi1>
    %or3A_118 = arith.ori %gt3A_114, %and3A_117 : vector<16xi1>
    %select_n3A_119 = arith.select %or3A_118, %select_n3A_105, %scan3A_23#14 : vector<16xi1>, vector<16xf32>
    %select_n3A_120 = arith.select %or3A_118, %select_n3A_106, %add3A_113 : vector<16xi1>, vector<16xi32>
    %slice3A = vector.extract_strided_slice %select_n3A_119 {offsets = [0], sizes = [1], strides = [1]} : vector<16xf32> to vector<1xf32>
    %squeeze3A = vector.extract %slice3A[0] : f32 from vector<1xf32>
    %slice3A_121 = vector.extract_strided_slice %select_n3A_120 {offsets = [0], sizes = [1], strides = [1]} : vector<16xi32> to vector<1xi32>
    %squeeze3A_122 = vector.extract %slice3A_121[0] : i32 from vector<1xi32>
    %slice3A_123 = vector.extract_strided_slice %select_n3A_119 {offsets = [1], sizes = [1], strides = [1]} : vector<16xf32> to vector<1xf32>
    %squeeze3A_124 = vector.extract %slice3A_123[0] : f32 from vector<1xf32>
    %slice3A_125 = vector.extract_strided_slice %select_n3A_120 {offsets = [1], sizes = [1], strides = [1]} : vector<16xi32> to vector<1xi32>
    %squeeze3A_126 = vector.extract %slice3A_125[0] : i32 from vector<1xi32>
    %gt3A_127 = arith.cmpf ogt, %squeeze3A_124, %squeeze3A : f32
    %eq3A_128 = arith.cmpf oeq, %squeeze3A_124, %squeeze3A : f32
    %lt3A_129 = arith.cmpi slt, %squeeze3A_126, %squeeze3A_122 : i32
    %and3A_130 = arith.andi %eq3A_128, %lt3A_129 : i1
    %or3A_131 = arith.ori %gt3A_127, %and3A_130 : i1
    %select_n3A_132 = arith.select %or3A_131, %squeeze3A_124, %squeeze3A : f32
    %select_n3A_133 = arith.select %or3A_131, %squeeze3A_126, %squeeze3A_122 : i32
    %slice3A_134 = vector.extract_strided_slice %select_n3A_119 {offsets = [2], sizes = [1], strides = [1]} : vector<16xf32> to vector<1xf32>
    %squeeze3A_135 = vector.extract %slice3A_134[0] : f32 from vector<1xf32>
    %slice3A_136 = vector.extract_strided_slice %select_n3A_120 {offsets = [2], sizes = [1], strides = [1]} : vector<16xi32> to vector<1xi32>
    %squeeze3A_137 = vector.extract %slice3A_136[0] : i32 from vector<1xi32>
    %gt3A_138 = arith.cmpf ogt, %squeeze3A_135, %select_n3A_132 : f32
    %eq3A_139 = arith.cmpf oeq, %squeeze3A_135, %select_n3A_132 : f32
    %lt3A_140 = arith.cmpi slt, %squeeze3A_137, %select_n3A_133 : i32
    %and3A_141 = arith.andi %eq3A_139, %lt3A_140 : i1
    %or3A_142 = arith.ori %gt3A_138, %and3A_141 : i1
    %select_n3A_143 = arith.select %or3A_142, %squeeze3A_135, %select_n3A_132 : f32
    %select_n3A_144 = arith.select %or3A_142, %squeeze3A_137, %select_n3A_133 : i32
    %slice3A_145 = vector.extract_strided_slice %select_n3A_119 {offsets = [3], sizes = [1], strides = [1]} : vector<16xf32> to vector<1xf32>
    %squeeze3A_146 = vector.extract %slice3A_145[0] : f32 from vector<1xf32>
    %slice3A_147 = vector.extract_strided_slice %select_n3A_120 {offsets = [3], sizes = [1], strides = [1]} : vector<16xi32> to vector<1xi32>
    %squeeze3A_148 = vector.extract %slice3A_147[0] : i32 from vector<1xi32>
    %gt3A_149 = arith.cmpf ogt, %squeeze3A_146, %select_n3A_143 : f32
    %eq3A_150 = arith.cmpf oeq, %squeeze3A_146, %select_n3A_143 : f32
    %lt3A_151 = arith.cmpi slt, %squeeze3A_148, %select_n3A_144 : i32
    %and3A_152 = arith.andi %eq3A_150, %lt3A_151 : i1
    %or3A_153 = arith.ori %gt3A_149, %and3A_152 : i1
    %select_n3A_154 = arith.select %or3A_153, %squeeze3A_146, %select_n3A_143 : f32
    %select_n3A_155 = arith.select %or3A_153, %squeeze3A_148, %select_n3A_144 : i32
    %slice3A_156 = vector.extract_strided_slice %select_n3A_119 {offsets = [4], sizes = [1], strides = [1]} : vector<16xf32> to vector<1xf32>
    %squeeze3A_157 = vector.extract %slice3A_156[0] : f32 from vector<1xf32>
    %slice3A_158 = vector.extract_strided_slice %select_n3A_120 {offsets = [4], sizes = [1], strides = [1]} : vector<16xi32> to vector<1xi32>
    %squeeze3A_159 = vector.extract %slice3A_158[0] : i32 from vector<1xi32>
    %gt3A_160 = arith.cmpf ogt, %squeeze3A_157, %select_n3A_154 : f32
    %eq3A_161 = arith.cmpf oeq, %squeeze3A_157, %select_n3A_154 : f32
    %lt3A_162 = arith.cmpi slt, %squeeze3A_159, %select_n3A_155 : i32
    %and3A_163 = arith.andi %eq3A_161, %lt3A_162 : i1
    %or3A_164 = arith.ori %gt3A_160, %and3A_163 : i1
    %select_n3A_165 = arith.select %or3A_164, %squeeze3A_157, %select_n3A_154 : f32
    %select_n3A_166 = arith.select %or3A_164, %squeeze3A_159, %select_n3A_155 : i32
    %slice3A_167 = vector.extract_strided_slice %select_n3A_119 {offsets = [5], sizes = [1], strides = [1]} : vector<16xf32> to vector<1xf32>
    %squeeze3A_168 = vector.extract %slice3A_167[0] : f32 from vector<1xf32>
    %slice3A_169 = vector.extract_strided_slice %select_n3A_120 {offsets = [5], sizes = [1], strides = [1]} : vector<16xi32> to vector<1xi32>
    %squeeze3A_170 = vector.extract %slice3A_169[0] : i32 from vector<1xi32>
    %gt3A_171 = arith.cmpf ogt, %squeeze3A_168, %select_n3A_165 : f32
    %eq3A_172 = arith.cmpf oeq, %squeeze3A_168, %select_n3A_165 : f32
    %lt3A_173 = arith.cmpi slt, %squeeze3A_170, %select_n3A_166 : i32
    %and3A_174 = arith.andi %eq3A_172, %lt3A_173 : i1
    %or3A_175 = arith.ori %gt3A_171, %and3A_174 : i1
    %select_n3A_176 = arith.select %or3A_175, %squeeze3A_168, %select_n3A_165 : f32
    %select_n3A_177 = arith.select %or3A_175, %squeeze3A_170, %select_n3A_166 : i32
    %slice3A_178 = vector.extract_strided_slice %select_n3A_119 {offsets = [6], sizes = [1], strides = [1]} : vector<16xf32> to vector<1xf32>
    %squeeze3A_179 = vector.extract %slice3A_178[0] : f32 from vector<1xf32>
    %slice3A_180 = vector.extract_strided_slice %select_n3A_120 {offsets = [6], sizes = [1], strides = [1]} : vector<16xi32> to vector<1xi32>
    %squeeze3A_181 = vector.extract %slice3A_180[0] : i32 from vector<1xi32>
    %gt3A_182 = arith.cmpf ogt, %squeeze3A_179, %select_n3A_176 : f32
    %eq3A_183 = arith.cmpf oeq, %squeeze3A_179, %select_n3A_176 : f32
    %lt3A_184 = arith.cmpi slt, %squeeze3A_181, %select_n3A_177 : i32
    %and3A_185 = arith.andi %eq3A_183, %lt3A_184 : i1
    %or3A_186 = arith.ori %gt3A_182, %and3A_185 : i1
    %select_n3A_187 = arith.select %or3A_186, %squeeze3A_179, %select_n3A_176 : f32
    %select_n3A_188 = arith.select %or3A_186, %squeeze3A_181, %select_n3A_177 : i32
    %slice3A_189 = vector.extract_strided_slice %select_n3A_119 {offsets = [7], sizes = [1], strides = [1]} : vector<16xf32> to vector<1xf32>
    %squeeze3A_190 = vector.extract %slice3A_189[0] : f32 from vector<1xf32>
    %slice3A_191 = vector.extract_strided_slice %select_n3A_120 {offsets = [7], sizes = [1], strides = [1]} : vector<16xi32> to vector<1xi32>
    %squeeze3A_192 = vector.extract %slice3A_191[0] : i32 from vector<1xi32>
    %gt3A_193 = arith.cmpf ogt, %squeeze3A_190, %select_n3A_187 : f32
    %eq3A_194 = arith.cmpf oeq, %squeeze3A_190, %select_n3A_187 : f32
    %lt3A_195 = arith.cmpi slt, %squeeze3A_192, %select_n3A_188 : i32
    %and3A_196 = arith.andi %eq3A_194, %lt3A_195 : i1
    %or3A_197 = arith.ori %gt3A_193, %and3A_196 : i1
    %select_n3A_198 = arith.select %or3A_197, %squeeze3A_190, %select_n3A_187 : f32
    %select_n3A_199 = arith.select %or3A_197, %squeeze3A_192, %select_n3A_188 : i32
    %slice3A_200 = vector.extract_strided_slice %select_n3A_119 {offsets = [8], sizes = [1], strides = [1]} : vector<16xf32> to vector<1xf32>
    %squeeze3A_201 = vector.extract %slice3A_200[0] : f32 from vector<1xf32>
    %slice3A_202 = vector.extract_strided_slice %select_n3A_120 {offsets = [8], sizes = [1], strides = [1]} : vector<16xi32> to vector<1xi32>
    %squeeze3A_203 = vector.extract %slice3A_202[0] : i32 from vector<1xi32>
    %gt3A_204 = arith.cmpf ogt, %squeeze3A_201, %select_n3A_198 : f32
    %eq3A_205 = arith.cmpf oeq, %squeeze3A_201, %select_n3A_198 : f32
    %lt3A_206 = arith.cmpi slt, %squeeze3A_203, %select_n3A_199 : i32
    %and3A_207 = arith.andi %eq3A_205, %lt3A_206 : i1
    %or3A_208 = arith.ori %gt3A_204, %and3A_207 : i1
    %select_n3A_209 = arith.select %or3A_208, %squeeze3A_201, %select_n3A_198 : f32
    %select_n3A_210 = arith.select %or3A_208, %squeeze3A_203, %select_n3A_199 : i32
    %slice3A_211 = vector.extract_strided_slice %select_n3A_119 {offsets = [9], sizes = [1], strides = [1]} : vector<16xf32> to vector<1xf32>
    %squeeze3A_212 = vector.extract %slice3A_211[0] : f32 from vector<1xf32>
    %slice3A_213 = vector.extract_strided_slice %select_n3A_120 {offsets = [9], sizes = [1], strides = [1]} : vector<16xi32> to vector<1xi32>
    %squeeze3A_214 = vector.extract %slice3A_213[0] : i32 from vector<1xi32>
    %gt3A_215 = arith.cmpf ogt, %squeeze3A_212, %select_n3A_209 : f32
    %eq3A_216 = arith.cmpf oeq, %squeeze3A_212, %select_n3A_209 : f32
    %lt3A_217 = arith.cmpi slt, %squeeze3A_214, %select_n3A_210 : i32
    %and3A_218 = arith.andi %eq3A_216, %lt3A_217 : i1
    %or3A_219 = arith.ori %gt3A_215, %and3A_218 : i1
    %select_n3A_220 = arith.select %or3A_219, %squeeze3A_212, %select_n3A_209 : f32
    %select_n3A_221 = arith.select %or3A_219, %squeeze3A_214, %select_n3A_210 : i32
    %slice3A_222 = vector.extract_strided_slice %select_n3A_119 {offsets = [10], sizes = [1], strides = [1]} : vector<16xf32> to vector<1xf32>
    %squeeze3A_223 = vector.extract %slice3A_222[0] : f32 from vector<1xf32>
    %slice3A_224 = vector.extract_strided_slice %select_n3A_120 {offsets = [10], sizes = [1], strides = [1]} : vector<16xi32> to vector<1xi32>
    %squeeze3A_225 = vector.extract %slice3A_224[0] : i32 from vector<1xi32>
    %gt3A_226 = arith.cmpf ogt, %squeeze3A_223, %select_n3A_220 : f32
    %eq3A_227 = arith.cmpf oeq, %squeeze3A_223, %select_n3A_220 : f32
    %lt3A_228 = arith.cmpi slt, %squeeze3A_225, %select_n3A_221 : i32
    %and3A_229 = arith.andi %eq3A_227, %lt3A_228 : i1
    %or3A_230 = arith.ori %gt3A_226, %and3A_229 : i1
    %select_n3A_231 = arith.select %or3A_230, %squeeze3A_223, %select_n3A_220 : f32
    %select_n3A_232 = arith.select %or3A_230, %squeeze3A_225, %select_n3A_221 : i32
    %slice3A_233 = vector.extract_strided_slice %select_n3A_119 {offsets = [11], sizes = [1], strides = [1]} : vector<16xf32> to vector<1xf32>
    %squeeze3A_234 = vector.extract %slice3A_233[0] : f32 from vector<1xf32>
    %slice3A_235 = vector.extract_strided_slice %select_n3A_120 {offsets = [11], sizes = [1], strides = [1]} : vector<16xi32> to vector<1xi32>
    %squeeze3A_236 = vector.extract %slice3A_235[0] : i32 from vector<1xi32>
    %gt3A_237 = arith.cmpf ogt, %squeeze3A_234, %select_n3A_231 : f32
    %eq3A_238 = arith.cmpf oeq, %squeeze3A_234, %select_n3A_231 : f32
    %lt3A_239 = arith.cmpi slt, %squeeze3A_236, %select_n3A_232 : i32
    %and3A_240 = arith.andi %eq3A_238, %lt3A_239 : i1
    %or3A_241 = arith.ori %gt3A_237, %and3A_240 : i1
    %select_n3A_242 = arith.select %or3A_241, %squeeze3A_234, %select_n3A_231 : f32
    %select_n3A_243 = arith.select %or3A_241, %squeeze3A_236, %select_n3A_232 : i32
    %slice3A_244 = vector.extract_strided_slice %select_n3A_119 {offsets = [12], sizes = [1], strides = [1]} : vector<16xf32> to vector<1xf32>
    %squeeze3A_245 = vector.extract %slice3A_244[0] : f32 from vector<1xf32>
    %slice3A_246 = vector.extract_strided_slice %select_n3A_120 {offsets = [12], sizes = [1], strides = [1]} : vector<16xi32> to vector<1xi32>
    %squeeze3A_247 = vector.extract %slice3A_246[0] : i32 from vector<1xi32>
    %gt3A_248 = arith.cmpf ogt, %squeeze3A_245, %select_n3A_242 : f32
    %eq3A_249 = arith.cmpf oeq, %squeeze3A_245, %select_n3A_242 : f32
    %lt3A_250 = arith.cmpi slt, %squeeze3A_247, %select_n3A_243 : i32
    %and3A_251 = arith.andi %eq3A_249, %lt3A_250 : i1
    %or3A_252 = arith.ori %gt3A_248, %and3A_251 : i1
    %select_n3A_253 = arith.select %or3A_252, %squeeze3A_245, %select_n3A_242 : f32
    %select_n3A_254 = arith.select %or3A_252, %squeeze3A_247, %select_n3A_243 : i32
    %slice3A_255 = vector.extract_strided_slice %select_n3A_119 {offsets = [13], sizes = [1], strides = [1]} : vector<16xf32> to vector<1xf32>
    %squeeze3A_256 = vector.extract %slice3A_255[0] : f32 from vector<1xf32>
    %slice3A_257 = vector.extract_strided_slice %select_n3A_120 {offsets = [13], sizes = [1], strides = [1]} : vector<16xi32> to vector<1xi32>
    %squeeze3A_258 = vector.extract %slice3A_257[0] : i32 from vector<1xi32>
    %gt3A_259 = arith.cmpf ogt, %squeeze3A_256, %select_n3A_253 : f32
    %eq3A_260 = arith.cmpf oeq, %squeeze3A_256, %select_n3A_253 : f32
    %lt3A_261 = arith.cmpi slt, %squeeze3A_258, %select_n3A_254 : i32
    %and3A_262 = arith.andi %eq3A_260, %lt3A_261 : i1
    %or3A_263 = arith.ori %gt3A_259, %and3A_262 : i1
    %select_n3A_264 = arith.select %or3A_263, %squeeze3A_256, %select_n3A_253 : f32
    %select_n3A_265 = arith.select %or3A_263, %squeeze3A_258, %select_n3A_254 : i32
    %slice3A_266 = vector.extract_strided_slice %select_n3A_119 {offsets = [14], sizes = [1], strides = [1]} : vector<16xf32> to vector<1xf32>
    %squeeze3A_267 = vector.extract %slice3A_266[0] : f32 from vector<1xf32>
    %slice3A_268 = vector.extract_strided_slice %select_n3A_120 {offsets = [14], sizes = [1], strides = [1]} : vector<16xi32> to vector<1xi32>
    %squeeze3A_269 = vector.extract %slice3A_268[0] : i32 from vector<1xi32>
    %gt3A_270 = arith.cmpf ogt, %squeeze3A_267, %select_n3A_264 : f32
    %eq3A_271 = arith.cmpf oeq, %squeeze3A_267, %select_n3A_264 : f32
    %lt3A_272 = arith.cmpi slt, %squeeze3A_269, %select_n3A_265 : i32
    %and3A_273 = arith.andi %eq3A_271, %lt3A_272 : i1
    %or3A_274 = arith.ori %gt3A_270, %and3A_273 : i1
    %select_n3A_275 = arith.select %or3A_274, %squeeze3A_267, %select_n3A_264 : f32
    %select_n3A_276 = arith.select %or3A_274, %squeeze3A_269, %select_n3A_265 : i32
    %slice3A_277 = vector.extract_strided_slice %select_n3A_119 {offsets = [15], sizes = [1], strides = [1]} : vector<16xf32> to vector<1xf32>
    %squeeze3A_278 = vector.extract %slice3A_277[0] : f32 from vector<1xf32>
    %slice3A_279 = vector.extract_strided_slice %select_n3A_120 {offsets = [15], sizes = [1], strides = [1]} : vector<16xi32> to vector<1xi32>
    %squeeze3A_280 = vector.extract %slice3A_279[0] : i32 from vector<1xi32>
    %gt3A_281 = arith.cmpf ogt, %squeeze3A_278, %select_n3A_275 : f32
    %eq3A_282 = arith.cmpf oeq, %squeeze3A_278, %select_n3A_275 : f32
    %lt3A_283 = arith.cmpi slt, %squeeze3A_280, %select_n3A_276 : i32
    %and3A_284 = arith.andi %eq3A_282, %lt3A_283 : i1
    %or3A_285 = arith.ori %gt3A_281, %and3A_284 : i1
    %select_n3A_286 = arith.select %or3A_285, %squeeze3A_278, %select_n3A_275 : f32
    %select_n3A_287 = arith.select %or3A_285, %squeeze3A_280, %select_n3A_276 : i32
    %iota3A_288 = tpu.iota {dimensions = array<i32: 0>} : vector<16xi32>
    %jit3A = arith.constant 8 : i32
    %eq3A_289 = arith.constant 0 : i32
    %eq3A_290 = arith.cmpi eq, %jit3A, %eq3A_289 : i32
    %jit3A_291 = arith.constant 1 : i32
    %select_n3A_292 = arith.select %eq3A_290, %jit3A_291, %jit3A : i32
    %rem3A = arith.remsi %arg1, %select_n3A_292 : i32
    %ne3A = arith.constant 0 : i32
    %ne3A_293 = arith.cmpi ne, %rem3A, %ne3A : i32
    %lt3A_294 = arith.constant 0 : i32
    %lt3A_295 = arith.cmpi slt, %rem3A, %lt3A_294 : i32
    %lt3A_296 = arith.constant 0 : i32
    %lt3A_297 = arith.cmpi slt, %select_n3A_292, %lt3A_296 : i32
    %ne3A_298 = arith.xori %lt3A_295, %lt3A_297 : i1
    %and3A_299 = arith.andi %ne3A_298, %ne3A_293 : i1
    %add3A_300 = arith.addi %rem3A, %select_n3A_292 : i32
    %select_n3A_301 = arith.select %and3A_299, %add3A_300, %rem3A : i32
    %mul3A_302 = arith.constant 1 : i32
    %mul3A_303 = arith.muli %select_n3A_301, %mul3A_302 : i32
    %broadcast_in_dim3A_304 = arith.constant 0 : i32
    %broadcast_in_dim3A_305 = vector.broadcast %broadcast_in_dim3A_304 : i32 to vector<16xi32>
    %add3A_306 = arith.constant 0 : i32
    %add3A_307 = arith.addi %mul3A_303, %add3A_306 : i32
    %eq3A_308 = vector.broadcast %add3A_307 : i32 to vector<16xi32>
    %eq3A_309 = arith.cmpi eq, %iota3A_288, %eq3A_308 : vector<16xi32>
    %broadcast_in_dim3A_310 = vector.broadcast %select_n3A_287 : i32 to vector<16xi32>
    %select_n3A_311 = arith.select %eq3A_309, %broadcast_in_dim3A_310, %broadcast_in_dim3A_305 : vector<16xi1>, vector<16xi32>
    %swap3A = arith.constant 0 : index
    %swap3A_312 = tpu.vector_load %arg5[%swap3A] {strides = array<i32>} : memref<16xi32, #tpu.memory_space<vmem>>, vector<16xi32>,
    %swap3A_313 = vector.shape_cast %swap3A_312 : vector<16xi32> to vector<16xi32>
    %swap3A_314 = vector.shape_cast %select_n3A_311 : vector<16xi32> to vector<16xi32>
    tpu.vector_store %arg5[%swap3A], %swap3A_314 {strides = array<i32>} : memref<16xi32, #tpu.memory_space<vmem>>, vector<16xi32>,
    %mul3A_315 = arith.constant 16 : i32
    %mul3A_316 = arith.muli %arg1, %mul3A_315 : i32
    "tpu.region"() ({
      %run_scoped3A = tpu.sem_alloc : memref<!tpu.dma_semaphore, #tpu.memory_space<semaphore_mem>>
      %dma_start3A_320 = tpu.memref_slice %arg7[%mul3A_316] : memref<256xi32, #tpu.memory_space<vmem_shared>> -> memref<16xi32, #tpu.memory_space<vmem_shared>>
      %dma_start3A_321 = tpu.memref_slice %arg7[%mul3A_316] : memref<256xi32, #tpu.memory_space<vmem_shared>> -> memref<16xi32, #tpu.memory_space<vmem_shared>>
      tpu.enqueue_dma source(%arg5 : memref<16xi32, #tpu.memory_space<vmem>>) target(%dma_start3A_321 : memref<16xi32, #tpu.memory_space<vmem_shared>>) target_semaphore(%run_scoped3A : memref<!tpu.dma_semaphore, #tpu.memory_space<semaphore_mem>>)
      %dma_wait3A_322 = tpu.memref_slice %arg7[%mul3A_316] : memref<256xi32, #tpu.memory_space<vmem_shared>> -> memref<16xi32, #tpu.memory_space<vmem_shared>>
      %dma_wait3A_323 = tpu.memref_slice %arg7[%mul3A_316] : memref<256xi32, #tpu.memory_space<vmem_shared>> -> memref<16xi32, #tpu.memory_space<vmem_shared>>
      tpu.wait_dma2 semaphore(%run_scoped3A : memref<!tpu.dma_semaphore, #tpu.memory_space<semaphore_mem>>) src(%arg5 : memref<16xi32, #tpu.memory_space<vmem>>) dst(%dma_wait3A_323 : memref<16xi32, #tpu.memory_space<vmem_shared>>)
      tpu.yield
    }) : () -> ()
    %barrier3A = arith.constant 0 : index
    tpu.barrier barrier_id(%barrier3A)
    %eq3A_317 = arith.constant 0 : i32
    %eq3A_318 = arith.cmpi eq, %select_n3A_301, %eq3A_317 : i32
    %convert_element_type3A = arith.extui %eq3A_318 : i1 to i32
    %cond3A = arith.constant 0 : i32
    %cond3A_319 = arith.cmpi ne, %convert_element_type3A, %cond3A : i32
    scf.if %cond3A_319 {
      %add3A_320 = arith.constant 1 : i32
      %add3A_321 = arith.addi %arg1, %add3A_320 : i32
      %mul3A_322 = arith.constant 16 : i32
      %mul3A_323 = arith.muli %add3A_321, %mul3A_322 : i32
      "tpu.region"() ({
        %run_scoped3A = tpu.sem_alloc : memref<!tpu.dma_semaphore, #tpu.memory_space<semaphore_mem>>
        %dma_start3A_426 = tpu.memref_slice %arg7[%mul3A_323] : memref<256xi32, #tpu.memory_space<vmem_shared>> -> memref<112xi32, #tpu.memory_space<vmem_shared>>
        %dma_start3A_427 = tpu.memref_slice %arg7[%mul3A_323] : memref<256xi32, #tpu.memory_space<vmem_shared>> -> memref<112xi32, #tpu.memory_space<vmem_shared>>
        tpu.enqueue_dma source(%dma_start3A_427 : memref<112xi32, #tpu.memory_space<vmem_shared>>) target(%arg6 : memref<112xi32, #tpu.memory_space<vmem>>) target_semaphore(%run_scoped3A : memref<!tpu.dma_semaphore, #tpu.memory_space<semaphore_mem>>)
        %dma_wait3A_428 = tpu.memref_slice %arg7[%mul3A_323] : memref<256xi32, #tpu.memory_space<vmem_shared>> -> memref<112xi32, #tpu.memory_space<vmem_shared>>
        %dma_wait3A_429 = tpu.memref_slice %arg7[%mul3A_323] : memref<256xi32, #tpu.memory_space<vmem_shared>> -> memref<112xi32, #tpu.memory_space<vmem_shared>>
        tpu.wait_dma2 semaphore(%run_scoped3A : memref<!tpu.dma_semaphore, #tpu.memory_space<semaphore_mem>>) src(%dma_wait3A_429 : memref<112xi32, #tpu.memory_space<vmem_shared>>) dst(%arg6 : memref<112xi32, #tpu.memory_space<vmem>>)
        tpu.yield
      }) : () -> ()
      %get3A = arith.constant 0 : index
      %get3A_324 = tpu.vector_load %arg6[%get3A] {strides = array<i32>} : memref<112xi32, #tpu.memory_space<vmem>>, vector<16xi32>,
      %get3A_325 = vector.shape_cast %get3A_324 : vector<16xi32> to vector<16xi32>
      %ge3A = arith.constant 1 : i32
      %ge3A_326 = vector.broadcast %ge3A : i32 to vector<16xi32>
      %ge3A_327 = arith.cmpi sge, %iota3A_288, %ge3A_326 : vector<16xi32>
      %lt3A_328 = arith.constant 2 : i32
      %lt3A_329 = vector.broadcast %lt3A_328 : i32 to vector<16xi32>
      %lt3A_330 = arith.cmpi slt, %iota3A_288, %lt3A_329 : vector<16xi32>
      %and3A_331 = arith.andi %ge3A_327, %lt3A_330 : vector<16xi1>
      %select_n3A_332 = arith.select %and3A_331, %get3A_325, %select_n3A_311 : vector<16xi1>, vector<16xi32>
      %get3A_333 = arith.constant 16 : index
      %get3A_334 = tpu.vector_load %arg6[%get3A_333] {strides = array<i32>} : memref<112xi32, #tpu.memory_space<vmem>>, vector<16xi32>,
      %get3A_335 = vector.shape_cast %get3A_334 : vector<16xi32> to vector<16xi32>
      %ge3A_336 = arith.constant 2 : i32
      %ge3A_337 = vector.broadcast %ge3A_336 : i32 to vector<16xi32>
      %ge3A_338 = arith.cmpi sge, %iota3A_288, %ge3A_337 : vector<16xi32>
      %lt3A_339 = arith.constant 3 : i32
      %lt3A_340 = vector.broadcast %lt3A_339 : i32 to vector<16xi32>
      %lt3A_341 = arith.cmpi slt, %iota3A_288, %lt3A_340 : vector<16xi32>
      %and3A_342 = arith.andi %ge3A_338, %lt3A_341 : vector<16xi1>
      %select_n3A_343 = arith.select %and3A_342, %get3A_335, %select_n3A_332 : vector<16xi1>, vector<16xi32>
      %get3A_344 = arith.constant 32 : index
      %get3A_345 = tpu.vector_load %arg6[%get3A_344] {strides = array<i32>} : memref<112xi32, #tpu.memory_space<vmem>>, vector<16xi32>,
      %get3A_346 = vector.shape_cast %get3A_345 : vector<16xi32> to vector<16xi32>
      %ge3A_347 = arith.constant 3 : i32
      %ge3A_348 = vector.broadcast %ge3A_347 : i32 to vector<16xi32>
      %ge3A_349 = arith.cmpi sge, %iota3A_288, %ge3A_348 : vector<16xi32>
      %lt3A_350 = arith.constant 4 : i32
      %lt3A_351 = vector.broadcast %lt3A_350 : i32 to vector<16xi32>
      %lt3A_352 = arith.cmpi slt, %iota3A_288, %lt3A_351 : vector<16xi32>
      %and3A_353 = arith.andi %ge3A_349, %lt3A_352 : vector<16xi1>
      %select_n3A_354 = arith.select %and3A_353, %get3A_346, %select_n3A_343 : vector<16xi1>, vector<16xi32>
      %get3A_355 = arith.constant 48 : index
      %get3A_356 = tpu.vector_load %arg6[%get3A_355] {strides = array<i32>} : memref<112xi32, #tpu.memory_space<vmem>>, vector<16xi32>,
      %get3A_357 = vector.shape_cast %get3A_356 : vector<16xi32> to vector<16xi32>
      %ge3A_358 = arith.constant 4 : i32
      %ge3A_359 = vector.broadcast %ge3A_358 : i32 to vector<16xi32>
      %ge3A_360 = arith.cmpi sge, %iota3A_288, %ge3A_359 : vector<16xi32>
      %lt3A_361 = arith.constant 5 : i32
      %lt3A_362 = vector.broadcast %lt3A_361 : i32 to vector<16xi32>
      %lt3A_363 = arith.cmpi slt, %iota3A_288, %lt3A_362 : vector<16xi32>
      %and3A_364 = arith.andi %ge3A_360, %lt3A_363 : vector<16xi1>
      %select_n3A_365 = arith.select %and3A_364, %get3A_357, %select_n3A_354 : vector<16xi1>, vector<16xi32>
      %get3A_366 = arith.constant 64 : index
      %get3A_367 = tpu.vector_load %arg6[%get3A_366] {strides = array<i32>} : memref<112xi32, #tpu.memory_space<vmem>>, vector<16xi32>,
      %get3A_368 = vector.shape_cast %get3A_367 : vector<16xi32> to vector<16xi32>
      %ge3A_369 = arith.constant 5 : i32
      %ge3A_370 = vector.broadcast %ge3A_369 : i32 to vector<16xi32>
      %ge3A_371 = arith.cmpi sge, %iota3A_288, %ge3A_370 : vector<16xi32>
      %lt3A_372 = arith.constant 6 : i32
      %lt3A_373 = vector.broadcast %lt3A_372 : i32 to vector<16xi32>
      %lt3A_374 = arith.cmpi slt, %iota3A_288, %lt3A_373 : vector<16xi32>
      %and3A_375 = arith.andi %ge3A_371, %lt3A_374 : vector<16xi1>
      %select_n3A_376 = arith.select %and3A_375, %get3A_368, %select_n3A_365 : vector<16xi1>, vector<16xi32>
      %get3A_377 = arith.constant 80 : index
      %get3A_378 = tpu.vector_load %arg6[%get3A_377] {strides = array<i32>} : memref<112xi32, #tpu.memory_space<vmem>>, vector<16xi32>,
      %get3A_379 = vector.shape_cast %get3A_378 : vector<16xi32> to vector<16xi32>
      %ge3A_380 = arith.constant 6 : i32
      %ge3A_381 = vector.broadcast %ge3A_380 : i32 to vector<16xi32>
      %ge3A_382 = arith.cmpi sge, %iota3A_288, %ge3A_381 : vector<16xi32>
      %lt3A_383 = arith.constant 7 : i32
      %lt3A_384 = vector.broadcast %lt3A_383 : i32 to vector<16xi32>
      %lt3A_385 = arith.cmpi slt, %iota3A_288, %lt3A_384 : vector<16xi32>
      %and3A_386 = arith.andi %ge3A_382, %lt3A_385 : vector<16xi1>
      %select_n3A_387 = arith.select %and3A_386, %get3A_379, %select_n3A_376 : vector<16xi1>, vector<16xi32>
      %get3A_388 = arith.constant 96 : index
      %get3A_389 = tpu.vector_load %arg6[%get3A_388] {strides = array<i32>} : memref<112xi32, #tpu.memory_space<vmem>>, vector<16xi32>,
      %get3A_390 = vector.shape_cast %get3A_389 : vector<16xi32> to vector<16xi32>
      %ge3A_391 = arith.constant 7 : i32
      %ge3A_392 = vector.broadcast %ge3A_391 : i32 to vector<16xi32>
      %ge3A_393 = arith.cmpi sge, %iota3A_288, %ge3A_392 : vector<16xi32>
      %lt3A_394 = arith.constant 8 : i32
      %lt3A_395 = vector.broadcast %lt3A_394 : i32 to vector<16xi32>
      %lt3A_396 = arith.cmpi slt, %iota3A_288, %lt3A_395 : vector<16xi32>
      %and3A_397 = arith.andi %ge3A_393, %lt3A_396 : vector<16xi1>
      %select_n3A_398 = arith.select %and3A_397, %get3A_390, %select_n3A_387 : vector<16xi1>, vector<16xi32>
      %swap3A_399 = arith.constant 0 : index
      %swap3A_400 = tpu.vector_load %arg5[%swap3A_399] {strides = array<i32>} : memref<16xi32, #tpu.memory_space<vmem>>, vector<16xi32>,
      %swap3A_401 = vector.shape_cast %swap3A_400 : vector<16xi32> to vector<16xi32>
      %swap3A_402 = vector.shape_cast %select_n3A_398 : vector<16xi32> to vector<16xi32>
      tpu.vector_store %arg5[%swap3A_399], %swap3A_402 {strides = array<i32>} : memref<16xi32, #tpu.memory_space<vmem>>, vector<16xi32>,
      %jit3A_403 = arith.constant 8 : i32
      %div3A = arith.divsi %add3A, %jit3A_403 : i32
      %sign3A = arith.constant 0 : i32
      %sign3A_404 = arith.cmpi sgt, %add3A, %sign3A : i32
      %sign3A_405 = arith.extui %sign3A_404 : i1 to i32
      %sign3A_406 = arith.constant 0 : i32
      %sign3A_407 = arith.cmpi slt, %add3A, %sign3A_406 : i32
      %sign3A_408 = arith.extui %sign3A_407 : i1 to i32
      %sign3A_409 = arith.subi %sign3A_405, %sign3A_408 : i32
      %sign3A_410 = arith.constant 0 : i32
      %sign3A_411 = arith.cmpi sgt, %jit3A_403, %sign3A_410 : i32
      %sign3A_412 = arith.extui %sign3A_411 : i1 to i32
      %sign3A_413 = arith.constant 0 : i32
      %sign3A_414 = arith.cmpi slt, %jit3A_403, %sign3A_413 : i32
      %sign3A_415 = arith.extui %sign3A_414 : i1 to i32
      %sign3A_416 = arith.subi %sign3A_412, %sign3A_415 : i32
      %ne3A_417 = arith.cmpi ne, %sign3A_409, %sign3A_416 : i32
      %rem3A_418 = arith.remsi %add3A, %jit3A_403 : i32
      %ne3A_419 = arith.constant 0 : i32
      %ne3A_420 = arith.cmpi ne, %rem3A_418, %ne3A_419 : i32
      %and3A_421 = arith.andi %ne3A_417, %ne3A_420 : i1
      %sub3A = arith.constant 1 : i32
      %sub3A_422 = arith.subi %div3A, %sub3A : i32
      %select_n3A_423 = arith.select %and3A_421, %sub3A_422, %div3A : i32
      %mul3A_424 = arith.constant 8 : i32
      %mul3A_425 = arith.muli %select_n3A_423, %mul3A_424 : i32
      "tpu.region"() ({
        %run_scoped3A = tpu.sem_alloc : memref<!tpu.dma_semaphore, #tpu.memory_space<semaphore_mem>>
        %dma_start3A_426 = arith.constant 0 : i32
        %dma_start3A_427 = tpu.memref_slice %arg5[%dma_start3A_426] : memref<16xi32, #tpu.memory_space<vmem>> -> memref<8xi32, #tpu.memory_space<vmem>>
        %dma_start3A_428 = tpu.memref_slice %arg3[%mul3A_425] : memref<32xi32, #tpu.memory_space<hbm>> -> memref<8xi32, #tpu.memory_space<hbm>>
        %dma_start3A_429 = tpu.memref_slice %arg3[%mul3A_425] : memref<32xi32, #tpu.memory_space<hbm>> -> memref<8xi32, #tpu.memory_space<hbm>>
        %dma_start3A_430 = arith.constant 0 : i32
        %dma_start3A_431 = tpu.memref_slice %arg5[%dma_start3A_430] : memref<16xi32, #tpu.memory_space<vmem>> -> memref<8xi32, #tpu.memory_space<vmem>>
        tpu.enqueue_dma source(%dma_start3A_431 : memref<8xi32, #tpu.memory_space<vmem>>) target(%dma_start3A_429 : memref<8xi32, #tpu.memory_space<hbm>>) target_semaphore(%run_scoped3A : memref<!tpu.dma_semaphore, #tpu.memory_space<semaphore_mem>>)
        %dma_wait3A_432 = arith.constant 0 : i32
        %dma_wait3A_433 = tpu.memref_slice %arg5[%dma_wait3A_432] : memref<16xi32, #tpu.memory_space<vmem>> -> memref<8xi32, #tpu.memory_space<vmem>>
        %dma_wait3A_434 = tpu.memref_slice %arg3[%mul3A_425] : memref<32xi32, #tpu.memory_space<hbm>> -> memref<8xi32, #tpu.memory_space<hbm>>
        %dma_wait3A_435 = tpu.memref_slice %arg3[%mul3A_425] : memref<32xi32, #tpu.memory_space<hbm>> -> memref<8xi32, #tpu.memory_space<hbm>>
        %dma_wait3A_436 = arith.constant 0 : i32
        %dma_wait3A_437 = tpu.memref_slice %arg5[%dma_wait3A_436] : memref<16xi32, #tpu.memory_space<vmem>> -> memref<8xi32, #tpu.memory_space<vmem>>
        tpu.wait_dma2 semaphore(%run_scoped3A : memref<!tpu.dma_semaphore, #tpu.memory_space<semaphore_mem>>) src(%dma_wait3A_437 : memref<8xi32, #tpu.memory_space<vmem>>) dst(%dma_wait3A_435 : memref<8xi32, #tpu.memory_space<hbm>>)
        tpu.yield
      }) : () -> ()
    } else {
    }
    return
  }
}

module attributes {stable_mosaic.version = 14 : i64} {
  func.func @body(%arg0: memref<128x32x8192xf32, #tpu.memory_space<hbm>>, %arg1: memref<128x8192xf32, #tpu.memory_space<hbm>>, %arg2: memref<96x1xi32, #tpu.memory_space<hbm>>, %arg3: memref<128x8192xf32, #tpu.memory_space<vmem>>, %arg4: memref<96x1xi32, #tpu.memory_space<vmem>>, %arg5: memref<!tpu.dma_semaphore, #tpu.memory_space<semaphore_mem>>, %arg6: memref<!tpu.dma_semaphore, #tpu.memory_space<semaphore_mem>>, %arg7: memref<!tpu.dma_semaphore, #tpu.memory_space<semaphore_mem>>) attributes {dimension_semantics = [], scalar_prefetch = 0 : i64, scratch_operands = 5 : i64, tpu.core_type = #tpu.core_type<tc>} {
    %dma_start3A = arith.constant 31 : i32
    %dma_start3A_0 = arith.constant 0 : i32
    %dma_start3A_1 = arith.constant 0 : i32
    %dma_start3A_2 = tpu.memref_slice %arg3[%dma_start3A_0, %dma_start3A_1] : memref<128x8192xf32, #tpu.memory_space<vmem>> -> memref<8x8192xf32, #tpu.memory_space<vmem>>
    %dma_start3A_3 = arith.constant 0 : i32
    %dma_start3A_4 = arith.constant 0 : i32
    %dma_start3A_5 = tpu.memref_slice %arg0[%dma_start3A_3, %dma_start3A, %dma_start3A_4] : memref<128x32x8192xf32, #tpu.memory_space<hbm>> -> memref<8x1x8192xf32, #tpu.memory_space<hbm>>
    %dma_start3A_6 = tpu.memref_squeeze %dma_start3A_5 : memref<8x1x8192xf32, #tpu.memory_space<hbm>> -> memref<8x8192xf32, #tpu.memory_space<hbm>>
    tpu.enqueue_dma source(%dma_start3A_6 : memref<8x8192xf32, #tpu.memory_space<hbm>>) target(%dma_start3A_2 : memref<8x8192xf32, #tpu.memory_space<vmem>>) target_semaphore(%arg5 : memref<!tpu.dma_semaphore, #tpu.memory_space<semaphore_mem>>)
    %dma_start3A_7 = arith.constant 31 : i32
    %dma_start3A_8 = arith.constant 8 : i32
    %dma_start3A_9 = arith.constant 0 : i32
    %dma_start3A_10 = tpu.memref_slice %arg3[%dma_start3A_8, %dma_start3A_9] : memref<128x8192xf32, #tpu.memory_space<vmem>> -> memref<8x8192xf32, #tpu.memory_space<vmem>>
    %dma_start3A_11 = arith.constant 8 : i32
    %dma_start3A_12 = arith.constant 0 : i32
    %dma_start3A_13 = tpu.memref_slice %arg0[%dma_start3A_11, %dma_start3A_7, %dma_start3A_12] : memref<128x32x8192xf32, #tpu.memory_space<hbm>> -> memref<8x1x8192xf32, #tpu.memory_space<hbm>>
    %dma_start3A_14 = tpu.memref_squeeze %dma_start3A_13 : memref<8x1x8192xf32, #tpu.memory_space<hbm>> -> memref<8x8192xf32, #tpu.memory_space<hbm>>
    tpu.enqueue_dma source(%dma_start3A_14 : memref<8x8192xf32, #tpu.memory_space<hbm>>) target(%dma_start3A_10 : memref<8x8192xf32, #tpu.memory_space<vmem>>) target_semaphore(%arg5 : memref<!tpu.dma_semaphore, #tpu.memory_space<semaphore_mem>>)
    %dma_start3A_15 = arith.constant 31 : i32
    %dma_start3A_16 = arith.constant 16 : i32
    %dma_start3A_17 = arith.constant 0 : i32
    %dma_start3A_18 = tpu.memref_slice %arg3[%dma_start3A_16, %dma_start3A_17] : memref<128x8192xf32, #tpu.memory_space<vmem>> -> memref<8x8192xf32, #tpu.memory_space<vmem>>
    %dma_start3A_19 = arith.constant 16 : i32
    %dma_start3A_20 = arith.constant 0 : i32
    %dma_start3A_21 = tpu.memref_slice %arg0[%dma_start3A_19, %dma_start3A_15, %dma_start3A_20] : memref<128x32x8192xf32, #tpu.memory_space<hbm>> -> memref<8x1x8192xf32, #tpu.memory_space<hbm>>
    %dma_start3A_22 = tpu.memref_squeeze %dma_start3A_21 : memref<8x1x8192xf32, #tpu.memory_space<hbm>> -> memref<8x8192xf32, #tpu.memory_space<hbm>>
    tpu.enqueue_dma source(%dma_start3A_22 : memref<8x8192xf32, #tpu.memory_space<hbm>>) target(%dma_start3A_18 : memref<8x8192xf32, #tpu.memory_space<vmem>>) target_semaphore(%arg5 : memref<!tpu.dma_semaphore, #tpu.memory_space<semaphore_mem>>)
    %dma_start3A_23 = arith.constant 31 : i32
    %dma_start3A_24 = arith.constant 24 : i32
    %dma_start3A_25 = arith.constant 0 : i32
    %dma_start3A_26 = tpu.memref_slice %arg3[%dma_start3A_24, %dma_start3A_25] : memref<128x8192xf32, #tpu.memory_space<vmem>> -> memref<8x8192xf32, #tpu.memory_space<vmem>>
    %dma_start3A_27 = arith.constant 24 : i32
    %dma_start3A_28 = arith.constant 0 : i32
    %dma_start3A_29 = tpu.memref_slice %arg0[%dma_start3A_27, %dma_start3A_23, %dma_start3A_28] : memref<128x32x8192xf32, #tpu.memory_space<hbm>> -> memref<8x1x8192xf32, #tpu.memory_space<hbm>>
    %dma_start3A_30 = tpu.memref_squeeze %dma_start3A_29 : memref<8x1x8192xf32, #tpu.memory_space<hbm>> -> memref<8x8192xf32, #tpu.memory_space<hbm>>
    tpu.enqueue_dma source(%dma_start3A_30 : memref<8x8192xf32, #tpu.memory_space<hbm>>) target(%dma_start3A_26 : memref<8x8192xf32, #tpu.memory_space<vmem>>) target_semaphore(%arg5 : memref<!tpu.dma_semaphore, #tpu.memory_space<semaphore_mem>>)
    %dma_start3A_31 = arith.constant 31 : i32
    %dma_start3A_32 = arith.constant 32 : i32
    %dma_start3A_33 = arith.constant 0 : i32
    %dma_start3A_34 = tpu.memref_slice %arg3[%dma_start3A_32, %dma_start3A_33] : memref<128x8192xf32, #tpu.memory_space<vmem>> -> memref<8x8192xf32, #tpu.memory_space<vmem>>
    %dma_start3A_35 = arith.constant 32 : i32
    %dma_start3A_36 = arith.constant 0 : i32
    %dma_start3A_37 = tpu.memref_slice %arg0[%dma_start3A_35, %dma_start3A_31, %dma_start3A_36] : memref<128x32x8192xf32, #tpu.memory_space<hbm>> -> memref<8x1x8192xf32, #tpu.memory_space<hbm>>
    %dma_start3A_38 = tpu.memref_squeeze %dma_start3A_37 : memref<8x1x8192xf32, #tpu.memory_space<hbm>> -> memref<8x8192xf32, #tpu.memory_space<hbm>>
    tpu.enqueue_dma source(%dma_start3A_38 : memref<8x8192xf32, #tpu.memory_space<hbm>>) target(%dma_start3A_34 : memref<8x8192xf32, #tpu.memory_space<vmem>>) target_semaphore(%arg5 : memref<!tpu.dma_semaphore, #tpu.memory_space<semaphore_mem>>)
    %dma_start3A_39 = arith.constant 31 : i32
    %dma_start3A_40 = arith.constant 40 : i32
    %dma_start3A_41 = arith.constant 0 : i32
    %dma_start3A_42 = tpu.memref_slice %arg3[%dma_start3A_40, %dma_start3A_41] : memref<128x8192xf32, #tpu.memory_space<vmem>> -> memref<8x8192xf32, #tpu.memory_space<vmem>>
    %dma_start3A_43 = arith.constant 40 : i32
    %dma_start3A_44 = arith.constant 0 : i32
    %dma_start3A_45 = tpu.memref_slice %arg0[%dma_start3A_43, %dma_start3A_39, %dma_start3A_44] : memref<128x32x8192xf32, #tpu.memory_space<hbm>> -> memref<8x1x8192xf32, #tpu.memory_space<hbm>>
    %dma_start3A_46 = tpu.memref_squeeze %dma_start3A_45 : memref<8x1x8192xf32, #tpu.memory_space<hbm>> -> memref<8x8192xf32, #tpu.memory_space<hbm>>
    tpu.enqueue_dma source(%dma_start3A_46 : memref<8x8192xf32, #tpu.memory_space<hbm>>) target(%dma_start3A_42 : memref<8x8192xf32, #tpu.memory_space<vmem>>) target_semaphore(%arg5 : memref<!tpu.dma_semaphore, #tpu.memory_space<semaphore_mem>>)
    %dma_start3A_47 = arith.constant 31 : i32
    %dma_start3A_48 = arith.constant 48 : i32
    %dma_start3A_49 = arith.constant 0 : i32
    %dma_start3A_50 = tpu.memref_slice %arg3[%dma_start3A_48, %dma_start3A_49] : memref<128x8192xf32, #tpu.memory_space<vmem>> -> memref<8x8192xf32, #tpu.memory_space<vmem>>
    %dma_start3A_51 = arith.constant 48 : i32
    %dma_start3A_52 = arith.constant 0 : i32
    %dma_start3A_53 = tpu.memref_slice %arg0[%dma_start3A_51, %dma_start3A_47, %dma_start3A_52] : memref<128x32x8192xf32, #tpu.memory_space<hbm>> -> memref<8x1x8192xf32, #tpu.memory_space<hbm>>
    %dma_start3A_54 = tpu.memref_squeeze %dma_start3A_53 : memref<8x1x8192xf32, #tpu.memory_space<hbm>> -> memref<8x8192xf32, #tpu.memory_space<hbm>>
    tpu.enqueue_dma source(%dma_start3A_54 : memref<8x8192xf32, #tpu.memory_space<hbm>>) target(%dma_start3A_50 : memref<8x8192xf32, #tpu.memory_space<vmem>>) target_semaphore(%arg5 : memref<!tpu.dma_semaphore, #tpu.memory_space<semaphore_mem>>)
    %dma_start3A_55 = arith.constant 31 : i32
    %dma_start3A_56 = arith.constant 56 : i32
    %dma_start3A_57 = arith.constant 0 : i32
    %dma_start3A_58 = tpu.memref_slice %arg3[%dma_start3A_56, %dma_start3A_57] : memref<128x8192xf32, #tpu.memory_space<vmem>> -> memref<8x8192xf32, #tpu.memory_space<vmem>>
    %dma_start3A_59 = arith.constant 56 : i32
    %dma_start3A_60 = arith.constant 0 : i32
    %dma_start3A_61 = tpu.memref_slice %arg0[%dma_start3A_59, %dma_start3A_55, %dma_start3A_60] : memref<128x32x8192xf32, #tpu.memory_space<hbm>> -> memref<8x1x8192xf32, #tpu.memory_space<hbm>>
    %dma_start3A_62 = tpu.memref_squeeze %dma_start3A_61 : memref<8x1x8192xf32, #tpu.memory_space<hbm>> -> memref<8x8192xf32, #tpu.memory_space<hbm>>
    tpu.enqueue_dma source(%dma_start3A_62 : memref<8x8192xf32, #tpu.memory_space<hbm>>) target(%dma_start3A_58 : memref<8x8192xf32, #tpu.memory_space<vmem>>) target_semaphore(%arg5 : memref<!tpu.dma_semaphore, #tpu.memory_space<semaphore_mem>>)
    %dma_start3A_63 = arith.constant 31 : i32
    %dma_start3A_64 = arith.constant 64 : i32
    %dma_start3A_65 = arith.constant 0 : i32
    %dma_start3A_66 = tpu.memref_slice %arg3[%dma_start3A_64, %dma_start3A_65] : memref<128x8192xf32, #tpu.memory_space<vmem>> -> memref<8x8192xf32, #tpu.memory_space<vmem>>
    %dma_start3A_67 = arith.constant 64 : i32
    %dma_start3A_68 = arith.constant 0 : i32
    %dma_start3A_69 = tpu.memref_slice %arg0[%dma_start3A_67, %dma_start3A_63, %dma_start3A_68] : memref<128x32x8192xf32, #tpu.memory_space<hbm>> -> memref<8x1x8192xf32, #tpu.memory_space<hbm>>
    %dma_start3A_70 = tpu.memref_squeeze %dma_start3A_69 : memref<8x1x8192xf32, #tpu.memory_space<hbm>> -> memref<8x8192xf32, #tpu.memory_space<hbm>>
    tpu.enqueue_dma source(%dma_start3A_70 : memref<8x8192xf32, #tpu.memory_space<hbm>>) target(%dma_start3A_66 : memref<8x8192xf32, #tpu.memory_space<vmem>>) target_semaphore(%arg5 : memref<!tpu.dma_semaphore, #tpu.memory_space<semaphore_mem>>)
    %dma_start3A_71 = arith.constant 31 : i32
    %dma_start3A_72 = arith.constant 72 : i32
    %dma_start3A_73 = arith.constant 0 : i32
    %dma_start3A_74 = tpu.memref_slice %arg3[%dma_start3A_72, %dma_start3A_73] : memref<128x8192xf32, #tpu.memory_space<vmem>> -> memref<8x8192xf32, #tpu.memory_space<vmem>>
    %dma_start3A_75 = arith.constant 72 : i32
    %dma_start3A_76 = arith.constant 0 : i32
    %dma_start3A_77 = tpu.memref_slice %arg0[%dma_start3A_75, %dma_start3A_71, %dma_start3A_76] : memref<128x32x8192xf32, #tpu.memory_space<hbm>> -> memref<8x1x8192xf32, #tpu.memory_space<hbm>>
    %dma_start3A_78 = tpu.memref_squeeze %dma_start3A_77 : memref<8x1x8192xf32, #tpu.memory_space<hbm>> -> memref<8x8192xf32, #tpu.memory_space<hbm>>
    tpu.enqueue_dma source(%dma_start3A_78 : memref<8x8192xf32, #tpu.memory_space<hbm>>) target(%dma_start3A_74 : memref<8x8192xf32, #tpu.memory_space<vmem>>) target_semaphore(%arg5 : memref<!tpu.dma_semaphore, #tpu.memory_space<semaphore_mem>>)
    %dma_start3A_79 = arith.constant 31 : i32
    %dma_start3A_80 = arith.constant 80 : i32
    %dma_start3A_81 = arith.constant 0 : i32
    %dma_start3A_82 = tpu.memref_slice %arg3[%dma_start3A_80, %dma_start3A_81] : memref<128x8192xf32, #tpu.memory_space<vmem>> -> memref<8x8192xf32, #tpu.memory_space<vmem>>
    %dma_start3A_83 = arith.constant 80 : i32
    %dma_start3A_84 = arith.constant 0 : i32
    %dma_start3A_85 = tpu.memref_slice %arg0[%dma_start3A_83, %dma_start3A_79, %dma_start3A_84] : memref<128x32x8192xf32, #tpu.memory_space<hbm>> -> memref<8x1x8192xf32, #tpu.memory_space<hbm>>
    %dma_start3A_86 = tpu.memref_squeeze %dma_start3A_85 : memref<8x1x8192xf32, #tpu.memory_space<hbm>> -> memref<8x8192xf32, #tpu.memory_space<hbm>>
    tpu.enqueue_dma source(%dma_start3A_86 : memref<8x8192xf32, #tpu.memory_space<hbm>>) target(%dma_start3A_82 : memref<8x8192xf32, #tpu.memory_space<vmem>>) target_semaphore(%arg5 : memref<!tpu.dma_semaphore, #tpu.memory_space<semaphore_mem>>)
    %dma_start3A_87 = arith.constant 31 : i32
    %dma_start3A_88 = arith.constant 88 : i32
    %dma_start3A_89 = arith.constant 0 : i32
    %dma_start3A_90 = tpu.memref_slice %arg3[%dma_start3A_88, %dma_start3A_89] : memref<128x8192xf32, #tpu.memory_space<vmem>> -> memref<8x8192xf32, #tpu.memory_space<vmem>>
    %dma_start3A_91 = arith.constant 88 : i32
    %dma_start3A_92 = arith.constant 0 : i32
    %dma_start3A_93 = tpu.memref_slice %arg0[%dma_start3A_91, %dma_start3A_87, %dma_start3A_92] : memref<128x32x8192xf32, #tpu.memory_space<hbm>> -> memref<8x1x8192xf32, #tpu.memory_space<hbm>>
    %dma_start3A_94 = tpu.memref_squeeze %dma_start3A_93 : memref<8x1x8192xf32, #tpu.memory_space<hbm>> -> memref<8x8192xf32, #tpu.memory_space<hbm>>
    tpu.enqueue_dma source(%dma_start3A_94 : memref<8x8192xf32, #tpu.memory_space<hbm>>) target(%dma_start3A_90 : memref<8x8192xf32, #tpu.memory_space<vmem>>) target_semaphore(%arg5 : memref<!tpu.dma_semaphore, #tpu.memory_space<semaphore_mem>>)
    %dma_start3A_95 = arith.constant 31 : i32
    %dma_start3A_96 = arith.constant 96 : i32
    %dma_start3A_97 = arith.constant 0 : i32
    %dma_start3A_98 = tpu.memref_slice %arg3[%dma_start3A_96, %dma_start3A_97] : memref<128x8192xf32, #tpu.memory_space<vmem>> -> memref<8x8192xf32, #tpu.memory_space<vmem>>
    %dma_start3A_99 = arith.constant 96 : i32
    %dma_start3A_100 = arith.constant 0 : i32
    %dma_start3A_101 = tpu.memref_slice %arg0[%dma_start3A_99, %dma_start3A_95, %dma_start3A_100] : memref<128x32x8192xf32, #tpu.memory_space<hbm>> -> memref<8x1x8192xf32, #tpu.memory_space<hbm>>
    %dma_start3A_102 = tpu.memref_squeeze %dma_start3A_101 : memref<8x1x8192xf32, #tpu.memory_space<hbm>> -> memref<8x8192xf32, #tpu.memory_space<hbm>>
    tpu.enqueue_dma source(%dma_start3A_102 : memref<8x8192xf32, #tpu.memory_space<hbm>>) target(%dma_start3A_98 : memref<8x8192xf32, #tpu.memory_space<vmem>>) target_semaphore(%arg5 : memref<!tpu.dma_semaphore, #tpu.memory_space<semaphore_mem>>)
    %dma_start3A_103 = arith.constant 31 : i32
    %dma_start3A_104 = arith.constant 104 : i32
    %dma_start3A_105 = arith.constant 0 : i32
    %dma_start3A_106 = tpu.memref_slice %arg3[%dma_start3A_104, %dma_start3A_105] : memref<128x8192xf32, #tpu.memory_space<vmem>> -> memref<8x8192xf32, #tpu.memory_space<vmem>>
    %dma_start3A_107 = arith.constant 104 : i32
    %dma_start3A_108 = arith.constant 0 : i32
    %dma_start3A_109 = tpu.memref_slice %arg0[%dma_start3A_107, %dma_start3A_103, %dma_start3A_108] : memref<128x32x8192xf32, #tpu.memory_space<hbm>> -> memref<8x1x8192xf32, #tpu.memory_space<hbm>>
    %dma_start3A_110 = tpu.memref_squeeze %dma_start3A_109 : memref<8x1x8192xf32, #tpu.memory_space<hbm>> -> memref<8x8192xf32, #tpu.memory_space<hbm>>
    tpu.enqueue_dma source(%dma_start3A_110 : memref<8x8192xf32, #tpu.memory_space<hbm>>) target(%dma_start3A_106 : memref<8x8192xf32, #tpu.memory_space<vmem>>) target_semaphore(%arg5 : memref<!tpu.dma_semaphore, #tpu.memory_space<semaphore_mem>>)
    %dma_start3A_111 = arith.constant 31 : i32
    %dma_start3A_112 = arith.constant 112 : i32
    %dma_start3A_113 = arith.constant 0 : i32
    %dma_start3A_114 = tpu.memref_slice %arg3[%dma_start3A_112, %dma_start3A_113] : memref<128x8192xf32, #tpu.memory_space<vmem>> -> memref<8x8192xf32, #tpu.memory_space<vmem>>
    %dma_start3A_115 = arith.constant 112 : i32
    %dma_start3A_116 = arith.constant 0 : i32
    %dma_start3A_117 = tpu.memref_slice %arg0[%dma_start3A_115, %dma_start3A_111, %dma_start3A_116] : memref<128x32x8192xf32, #tpu.memory_space<hbm>> -> memref<8x1x8192xf32, #tpu.memory_space<hbm>>
    %dma_start3A_118 = tpu.memref_squeeze %dma_start3A_117 : memref<8x1x8192xf32, #tpu.memory_space<hbm>> -> memref<8x8192xf32, #tpu.memory_space<hbm>>
    tpu.enqueue_dma source(%dma_start3A_118 : memref<8x8192xf32, #tpu.memory_space<hbm>>) target(%dma_start3A_114 : memref<8x8192xf32, #tpu.memory_space<vmem>>) target_semaphore(%arg5 : memref<!tpu.dma_semaphore, #tpu.memory_space<semaphore_mem>>)
    %dma_start3A_119 = arith.constant 31 : i32
    %dma_start3A_120 = arith.constant 120 : i32
    %dma_start3A_121 = arith.constant 0 : i32
    %dma_start3A_122 = tpu.memref_slice %arg3[%dma_start3A_120, %dma_start3A_121] : memref<128x8192xf32, #tpu.memory_space<vmem>> -> memref<8x8192xf32, #tpu.memory_space<vmem>>
    %dma_start3A_123 = arith.constant 120 : i32
    %dma_start3A_124 = arith.constant 0 : i32
    %dma_start3A_125 = tpu.memref_slice %arg0[%dma_start3A_123, %dma_start3A_119, %dma_start3A_124] : memref<128x32x8192xf32, #tpu.memory_space<hbm>> -> memref<8x1x8192xf32, #tpu.memory_space<hbm>>
    %dma_start3A_126 = tpu.memref_squeeze %dma_start3A_125 : memref<8x1x8192xf32, #tpu.memory_space<hbm>> -> memref<8x8192xf32, #tpu.memory_space<hbm>>
    tpu.enqueue_dma source(%dma_start3A_126 : memref<8x8192xf32, #tpu.memory_space<hbm>>) target(%dma_start3A_122 : memref<8x8192xf32, #tpu.memory_space<vmem>>) target_semaphore(%arg5 : memref<!tpu.dma_semaphore, #tpu.memory_space<semaphore_mem>>)
    %iota3A = tpu.iota {dimensions = array<i32: 1>} : vector<8x8192xi32>
    %dma_wait3A = arith.constant 31 : i32
    %dma_wait3A_127 = arith.constant 0 : i32
    %dma_wait3A_128 = arith.constant 0 : i32
    %dma_wait3A_129 = tpu.memref_slice %arg3[%dma_wait3A_127, %dma_wait3A_128] : memref<128x8192xf32, #tpu.memory_space<vmem>> -> memref<8x8192xf32, #tpu.memory_space<vmem>>
    %dma_wait3A_130 = arith.constant 0 : i32
    %dma_wait3A_131 = arith.constant 0 : i32
    %dma_wait3A_132 = tpu.memref_slice %arg0[%dma_wait3A_130, %dma_wait3A, %dma_wait3A_131] : memref<128x32x8192xf32, #tpu.memory_space<hbm>> -> memref<8x1x8192xf32, #tpu.memory_space<hbm>>
    %dma_wait3A_133 = tpu.memref_squeeze %dma_wait3A_132 : memref<8x1x8192xf32, #tpu.memory_space<hbm>> -> memref<8x8192xf32, #tpu.memory_space<hbm>>
    tpu.wait_dma2 semaphore(%arg5 : memref<!tpu.dma_semaphore, #tpu.memory_space<semaphore_mem>>) src(%dma_wait3A_133 : memref<8x8192xf32, #tpu.memory_space<hbm>>) dst(%dma_wait3A_129 : memref<8x8192xf32, #tpu.memory_space<vmem>>)
    %dma_start3A_134 = arith.constant 0 : i32
    %dma_start3A_135 = arith.constant 0 : i32
    %dma_start3A_136 = tpu.memref_slice %arg1[%dma_start3A_134, %dma_start3A_135] : memref<128x8192xf32, #tpu.memory_space<hbm>> -> memref<8x8192xf32, #tpu.memory_space<hbm>>
    %dma_start3A_137 = arith.constant 0 : i32
    %dma_start3A_138 = arith.constant 0 : i32
    %dma_start3A_139 = tpu.memref_slice %arg3[%dma_start3A_137, %dma_start3A_138] : memref<128x8192xf32, #tpu.memory_space<vmem>> -> memref<8x8192xf32, #tpu.memory_space<vmem>>
    tpu.enqueue_dma source(%dma_start3A_139 : memref<8x8192xf32, #tpu.memory_space<vmem>>) target(%dma_start3A_136 : memref<8x8192xf32, #tpu.memory_space<hbm>>) target_semaphore(%arg6 : memref<!tpu.dma_semaphore, #tpu.memory_space<semaphore_mem>>)
    %dma_wait3A_140 = arith.constant 31 : i32
    %dma_wait3A_141 = arith.constant 8 : i32
    %dma_wait3A_142 = arith.constant 0 : i32
    %dma_wait3A_143 = tpu.memref_slice %arg3[%dma_wait3A_141, %dma_wait3A_142] : memref<128x8192xf32, #tpu.memory_space<vmem>> -> memref<8x8192xf32, #tpu.memory_space<vmem>>
    %dma_wait3A_144 = arith.constant 8 : i32
    %dma_wait3A_145 = arith.constant 0 : i32
    %dma_wait3A_146 = tpu.memref_slice %arg0[%dma_wait3A_144, %dma_wait3A_140, %dma_wait3A_145] : memref<128x32x8192xf32, #tpu.memory_space<hbm>> -> memref<8x1x8192xf32, #tpu.memory_space<hbm>>
    %dma_wait3A_147 = tpu.memref_squeeze %dma_wait3A_146 : memref<8x1x8192xf32, #tpu.memory_space<hbm>> -> memref<8x8192xf32, #tpu.memory_space<hbm>>
    tpu.wait_dma2 semaphore(%arg5 : memref<!tpu.dma_semaphore, #tpu.memory_space<semaphore_mem>>) src(%dma_wait3A_147 : memref<8x8192xf32, #tpu.memory_space<hbm>>) dst(%dma_wait3A_143 : memref<8x8192xf32, #tpu.memory_space<vmem>>)
    %dma_start3A_148 = arith.constant 8 : i32
    %dma_start3A_149 = arith.constant 0 : i32
    %dma_start3A_150 = tpu.memref_slice %arg1[%dma_start3A_148, %dma_start3A_149] : memref<128x8192xf32, #tpu.memory_space<hbm>> -> memref<8x8192xf32, #tpu.memory_space<hbm>>
    %dma_start3A_151 = arith.constant 8 : i32
    %dma_start3A_152 = arith.constant 0 : i32
    %dma_start3A_153 = tpu.memref_slice %arg3[%dma_start3A_151, %dma_start3A_152] : memref<128x8192xf32, #tpu.memory_space<vmem>> -> memref<8x8192xf32, #tpu.memory_space<vmem>>
    tpu.enqueue_dma source(%dma_start3A_153 : memref<8x8192xf32, #tpu.memory_space<vmem>>) target(%dma_start3A_150 : memref<8x8192xf32, #tpu.memory_space<hbm>>) target_semaphore(%arg6 : memref<!tpu.dma_semaphore, #tpu.memory_space<semaphore_mem>>)
    %dma_wait3A_154 = arith.constant 31 : i32
    %dma_wait3A_155 = arith.constant 16 : i32
    %dma_wait3A_156 = arith.constant 0 : i32
    %dma_wait3A_157 = tpu.memref_slice %arg3[%dma_wait3A_155, %dma_wait3A_156] : memref<128x8192xf32, #tpu.memory_space<vmem>> -> memref<8x8192xf32, #tpu.memory_space<vmem>>
    %dma_wait3A_158 = arith.constant 16 : i32
    %dma_wait3A_159 = arith.constant 0 : i32
    %dma_wait3A_160 = tpu.memref_slice %arg0[%dma_wait3A_158, %dma_wait3A_154, %dma_wait3A_159] : memref<128x32x8192xf32, #tpu.memory_space<hbm>> -> memref<8x1x8192xf32, #tpu.memory_space<hbm>>
    %dma_wait3A_161 = tpu.memref_squeeze %dma_wait3A_160 : memref<8x1x8192xf32, #tpu.memory_space<hbm>> -> memref<8x8192xf32, #tpu.memory_space<hbm>>
    tpu.wait_dma2 semaphore(%arg5 : memref<!tpu.dma_semaphore, #tpu.memory_space<semaphore_mem>>) src(%dma_wait3A_161 : memref<8x8192xf32, #tpu.memory_space<hbm>>) dst(%dma_wait3A_157 : memref<8x8192xf32, #tpu.memory_space<vmem>>)
    %dma_start3A_162 = arith.constant 16 : i32
    %dma_start3A_163 = arith.constant 0 : i32
    %dma_start3A_164 = tpu.memref_slice %arg1[%dma_start3A_162, %dma_start3A_163] : memref<128x8192xf32, #tpu.memory_space<hbm>> -> memref<8x8192xf32, #tpu.memory_space<hbm>>
    %dma_start3A_165 = arith.constant 16 : i32
    %dma_start3A_166 = arith.constant 0 : i32
    %dma_start3A_167 = tpu.memref_slice %arg3[%dma_start3A_165, %dma_start3A_166] : memref<128x8192xf32, #tpu.memory_space<vmem>> -> memref<8x8192xf32, #tpu.memory_space<vmem>>
    tpu.enqueue_dma source(%dma_start3A_167 : memref<8x8192xf32, #tpu.memory_space<vmem>>) target(%dma_start3A_164 : memref<8x8192xf32, #tpu.memory_space<hbm>>) target_semaphore(%arg6 : memref<!tpu.dma_semaphore, #tpu.memory_space<semaphore_mem>>)
    %dma_wait3A_168 = arith.constant 31 : i32
    %dma_wait3A_169 = arith.constant 24 : i32
    %dma_wait3A_170 = arith.constant 0 : i32
    %dma_wait3A_171 = tpu.memref_slice %arg3[%dma_wait3A_169, %dma_wait3A_170] : memref<128x8192xf32, #tpu.memory_space<vmem>> -> memref<8x8192xf32, #tpu.memory_space<vmem>>
    %dma_wait3A_172 = arith.constant 24 : i32
    %dma_wait3A_173 = arith.constant 0 : i32
    %dma_wait3A_174 = tpu.memref_slice %arg0[%dma_wait3A_172, %dma_wait3A_168, %dma_wait3A_173] : memref<128x32x8192xf32, #tpu.memory_space<hbm>> -> memref<8x1x8192xf32, #tpu.memory_space<hbm>>
    %dma_wait3A_175 = tpu.memref_squeeze %dma_wait3A_174 : memref<8x1x8192xf32, #tpu.memory_space<hbm>> -> memref<8x8192xf32, #tpu.memory_space<hbm>>
    tpu.wait_dma2 semaphore(%arg5 : memref<!tpu.dma_semaphore, #tpu.memory_space<semaphore_mem>>) src(%dma_wait3A_175 : memref<8x8192xf32, #tpu.memory_space<hbm>>) dst(%dma_wait3A_171 : memref<8x8192xf32, #tpu.memory_space<vmem>>)
    %dma_start3A_176 = arith.constant 24 : i32
    %dma_start3A_177 = arith.constant 0 : i32
    %dma_start3A_178 = tpu.memref_slice %arg1[%dma_start3A_176, %dma_start3A_177] : memref<128x8192xf32, #tpu.memory_space<hbm>> -> memref<8x8192xf32, #tpu.memory_space<hbm>>
    %dma_start3A_179 = arith.constant 24 : i32
    %dma_start3A_180 = arith.constant 0 : i32
    %dma_start3A_181 = tpu.memref_slice %arg3[%dma_start3A_179, %dma_start3A_180] : memref<128x8192xf32, #tpu.memory_space<vmem>> -> memref<8x8192xf32, #tpu.memory_space<vmem>>
    tpu.enqueue_dma source(%dma_start3A_181 : memref<8x8192xf32, #tpu.memory_space<vmem>>) target(%dma_start3A_178 : memref<8x8192xf32, #tpu.memory_space<hbm>>) target_semaphore(%arg6 : memref<!tpu.dma_semaphore, #tpu.memory_space<semaphore_mem>>)
    %dma_wait3A_182 = arith.constant 31 : i32
    %dma_wait3A_183 = arith.constant 32 : i32
    %dma_wait3A_184 = arith.constant 0 : i32
    %dma_wait3A_185 = tpu.memref_slice %arg3[%dma_wait3A_183, %dma_wait3A_184] : memref<128x8192xf32, #tpu.memory_space<vmem>> -> memref<8x8192xf32, #tpu.memory_space<vmem>>
    %dma_wait3A_186 = arith.constant 32 : i32
    %dma_wait3A_187 = arith.constant 0 : i32
    %dma_wait3A_188 = tpu.memref_slice %arg0[%dma_wait3A_186, %dma_wait3A_182, %dma_wait3A_187] : memref<128x32x8192xf32, #tpu.memory_space<hbm>> -> memref<8x1x8192xf32, #tpu.memory_space<hbm>>
    %dma_wait3A_189 = tpu.memref_squeeze %dma_wait3A_188 : memref<8x1x8192xf32, #tpu.memory_space<hbm>> -> memref<8x8192xf32, #tpu.memory_space<hbm>>
    tpu.wait_dma2 semaphore(%arg5 : memref<!tpu.dma_semaphore, #tpu.memory_space<semaphore_mem>>) src(%dma_wait3A_189 : memref<8x8192xf32, #tpu.memory_space<hbm>>) dst(%dma_wait3A_185 : memref<8x8192xf32, #tpu.memory_space<vmem>>)
    %dma_start3A_190 = arith.constant 32 : i32
    %dma_start3A_191 = arith.constant 0 : i32
    %dma_start3A_192 = tpu.memref_slice %arg1[%dma_start3A_190, %dma_start3A_191] : memref<128x8192xf32, #tpu.memory_space<hbm>> -> memref<8x8192xf32, #tpu.memory_space<hbm>>
    %dma_start3A_193 = arith.constant 32 : i32
    %dma_start3A_194 = arith.constant 0 : i32
    %dma_start3A_195 = tpu.memref_slice %arg3[%dma_start3A_193, %dma_start3A_194] : memref<128x8192xf32, #tpu.memory_space<vmem>> -> memref<8x8192xf32, #tpu.memory_space<vmem>>
    tpu.enqueue_dma source(%dma_start3A_195 : memref<8x8192xf32, #tpu.memory_space<vmem>>) target(%dma_start3A_192 : memref<8x8192xf32, #tpu.memory_space<hbm>>) target_semaphore(%arg6 : memref<!tpu.dma_semaphore, #tpu.memory_space<semaphore_mem>>)
    %get3A = arith.constant 32 : index
    %get3A_196 = arith.constant 0 : index
    %get3A_197 = vector.load %arg3[%get3A, %get3A_196] : memref<128x8192xf32, #tpu.memory_space<vmem>>, vector<8x8192xf32>
    %reduce_max3A = arith.constant dense<0xFF800000> : vector<8xf32>
    %reduce_max3A_198 = vector.multi_reduction <maximumf>, %get3A_197, %reduce_max3A [1] : vector<8x8192xf32> to vector<8xf32>
    %broadcast_in_dim3A = vector.shape_cast %reduce_max3A_198 : vector<8xf32> to vector<8x1xf32>
    %eq3A = vector.broadcast %broadcast_in_dim3A : vector<8x1xf32> to vector<8x8192xf32>
    %eq3A_199 = arith.cmpf oeq, %get3A_197, %eq3A : vector<8x8192xf32>
    %jit3A = arith.constant 1073741824 : i32
    %broadcast_in_dim3A_200 = vector.broadcast %jit3A : i32 to vector<8x8192xi32>
    %select_n3A = arith.select %eq3A_199, %iota3A, %broadcast_in_dim3A_200 : vector<8x8192xi1>, vector<8x8192xi32>
    %reduce_min3A = arith.constant dense<2147483647> : vector<8xi32>
    %reduce_min3A_201 = vector.multi_reduction <minsi>, %select_n3A, %reduce_min3A [1] : vector<8x8192xi32> to vector<8xi32>
    %broadcast_in_dim3A_202 = vector.shape_cast %reduce_min3A_201 : vector<8xi32> to vector<8x1xi32>
    %swap3A = arith.constant 0 : index
    %swap3A_203 = arith.constant 0 : index
    %swap3A_204 = vector.load %arg4[%swap3A, %swap3A_203] : memref<96x1xi32, #tpu.memory_space<vmem>>, vector<8x1xi32>
    tpu.vector_store %arg4[%swap3A, %swap3A_203], %broadcast_in_dim3A_202 {strides = array<i32>} : memref<96x1xi32, #tpu.memory_space<vmem>>, vector<8x1xi32>,
    %dma_wait3A_205 = arith.constant 31 : i32
    %dma_wait3A_206 = arith.constant 40 : i32
    %dma_wait3A_207 = arith.constant 0 : i32
    %dma_wait3A_208 = tpu.memref_slice %arg3[%dma_wait3A_206, %dma_wait3A_207] : memref<128x8192xf32, #tpu.memory_space<vmem>> -> memref<8x8192xf32, #tpu.memory_space<vmem>>
    %dma_wait3A_209 = arith.constant 40 : i32
    %dma_wait3A_210 = arith.constant 0 : i32
    %dma_wait3A_211 = tpu.memref_slice %arg0[%dma_wait3A_209, %dma_wait3A_205, %dma_wait3A_210] : memref<128x32x8192xf32, #tpu.memory_space<hbm>> -> memref<8x1x8192xf32, #tpu.memory_space<hbm>>
    %dma_wait3A_212 = tpu.memref_squeeze %dma_wait3A_211 : memref<8x1x8192xf32, #tpu.memory_space<hbm>> -> memref<8x8192xf32, #tpu.memory_space<hbm>>
    tpu.wait_dma2 semaphore(%arg5 : memref<!tpu.dma_semaphore, #tpu.memory_space<semaphore_mem>>) src(%dma_wait3A_212 : memref<8x8192xf32, #tpu.memory_space<hbm>>) dst(%dma_wait3A_208 : memref<8x8192xf32, #tpu.memory_space<vmem>>)
    %dma_start3A_213 = arith.constant 40 : i32
    %dma_start3A_214 = arith.constant 0 : i32
    %dma_start3A_215 = tpu.memref_slice %arg1[%dma_start3A_213, %dma_start3A_214] : memref<128x8192xf32, #tpu.memory_space<hbm>> -> memref<8x8192xf32, #tpu.memory_space<hbm>>
    %dma_start3A_216 = arith.constant 40 : i32
    %dma_start3A_217 = arith.constant 0 : i32
    %dma_start3A_218 = tpu.memref_slice %arg3[%dma_start3A_216, %dma_start3A_217] : memref<128x8192xf32, #tpu.memory_space<vmem>> -> memref<8x8192xf32, #tpu.memory_space<vmem>>
    tpu.enqueue_dma source(%dma_start3A_218 : memref<8x8192xf32, #tpu.memory_space<vmem>>) target(%dma_start3A_215 : memref<8x8192xf32, #tpu.memory_space<hbm>>) target_semaphore(%arg6 : memref<!tpu.dma_semaphore, #tpu.memory_space<semaphore_mem>>)
    %get3A_219 = arith.constant 40 : index
    %get3A_220 = arith.constant 0 : index
    %get3A_221 = vector.load %arg3[%get3A_219, %get3A_220] : memref<128x8192xf32, #tpu.memory_space<vmem>>, vector<8x8192xf32>
    %reduce_max3A_222 = arith.constant dense<0xFF800000> : vector<8xf32>
    %reduce_max3A_223 = vector.multi_reduction <maximumf>, %get3A_221, %reduce_max3A_222 [1] : vector<8x8192xf32> to vector<8xf32>
    %broadcast_in_dim3A_224 = vector.shape_cast %reduce_max3A_223 : vector<8xf32> to vector<8x1xf32>
    %eq3A_225 = vector.broadcast %broadcast_in_dim3A_224 : vector<8x1xf32> to vector<8x8192xf32>
    %eq3A_226 = arith.cmpf oeq, %get3A_221, %eq3A_225 : vector<8x8192xf32>
    %jit3A_227 = arith.constant 1073741824 : i32
    %broadcast_in_dim3A_228 = vector.broadcast %jit3A_227 : i32 to vector<8x8192xi32>
    %select_n3A_229 = arith.select %eq3A_226, %iota3A, %broadcast_in_dim3A_228 : vector<8x8192xi1>, vector<8x8192xi32>
    %reduce_min3A_230 = arith.constant dense<2147483647> : vector<8xi32>
    %reduce_min3A_231 = vector.multi_reduction <minsi>, %select_n3A_229, %reduce_min3A_230 [1] : vector<8x8192xi32> to vector<8xi32>
    %broadcast_in_dim3A_232 = vector.shape_cast %reduce_min3A_231 : vector<8xi32> to vector<8x1xi32>
    %swap3A_233 = arith.constant 8 : index
    %swap3A_234 = arith.constant 0 : index
    %swap3A_235 = vector.load %arg4[%swap3A_233, %swap3A_234] : memref<96x1xi32, #tpu.memory_space<vmem>>, vector<8x1xi32>
    tpu.vector_store %arg4[%swap3A_233, %swap3A_234], %broadcast_in_dim3A_232 {strides = array<i32>} : memref<96x1xi32, #tpu.memory_space<vmem>>, vector<8x1xi32>,
    %dma_wait3A_236 = arith.constant 31 : i32
    %dma_wait3A_237 = arith.constant 48 : i32
    %dma_wait3A_238 = arith.constant 0 : i32
    %dma_wait3A_239 = tpu.memref_slice %arg3[%dma_wait3A_237, %dma_wait3A_238] : memref<128x8192xf32, #tpu.memory_space<vmem>> -> memref<8x8192xf32, #tpu.memory_space<vmem>>
    %dma_wait3A_240 = arith.constant 48 : i32
    %dma_wait3A_241 = arith.constant 0 : i32
    %dma_wait3A_242 = tpu.memref_slice %arg0[%dma_wait3A_240, %dma_wait3A_236, %dma_wait3A_241] : memref<128x32x8192xf32, #tpu.memory_space<hbm>> -> memref<8x1x8192xf32, #tpu.memory_space<hbm>>
    %dma_wait3A_243 = tpu.memref_squeeze %dma_wait3A_242 : memref<8x1x8192xf32, #tpu.memory_space<hbm>> -> memref<8x8192xf32, #tpu.memory_space<hbm>>
    tpu.wait_dma2 semaphore(%arg5 : memref<!tpu.dma_semaphore, #tpu.memory_space<semaphore_mem>>) src(%dma_wait3A_243 : memref<8x8192xf32, #tpu.memory_space<hbm>>) dst(%dma_wait3A_239 : memref<8x8192xf32, #tpu.memory_space<vmem>>)
    %dma_start3A_244 = arith.constant 48 : i32
    %dma_start3A_245 = arith.constant 0 : i32
    %dma_start3A_246 = tpu.memref_slice %arg1[%dma_start3A_244, %dma_start3A_245] : memref<128x8192xf32, #tpu.memory_space<hbm>> -> memref<8x8192xf32, #tpu.memory_space<hbm>>
    %dma_start3A_247 = arith.constant 48 : i32
    %dma_start3A_248 = arith.constant 0 : i32
    %dma_start3A_249 = tpu.memref_slice %arg3[%dma_start3A_247, %dma_start3A_248] : memref<128x8192xf32, #tpu.memory_space<vmem>> -> memref<8x8192xf32, #tpu.memory_space<vmem>>
    tpu.enqueue_dma source(%dma_start3A_249 : memref<8x8192xf32, #tpu.memory_space<vmem>>) target(%dma_start3A_246 : memref<8x8192xf32, #tpu.memory_space<hbm>>) target_semaphore(%arg6 : memref<!tpu.dma_semaphore, #tpu.memory_space<semaphore_mem>>)
    %get3A_250 = arith.constant 48 : index
    %get3A_251 = arith.constant 0 : index
    %get3A_252 = vector.load %arg3[%get3A_250, %get3A_251] : memref<128x8192xf32, #tpu.memory_space<vmem>>, vector<8x8192xf32>
    %reduce_max3A_253 = arith.constant dense<0xFF800000> : vector<8xf32>
    %reduce_max3A_254 = vector.multi_reduction <maximumf>, %get3A_252, %reduce_max3A_253 [1] : vector<8x8192xf32> to vector<8xf32>
    %broadcast_in_dim3A_255 = vector.shape_cast %reduce_max3A_254 : vector<8xf32> to vector<8x1xf32>
    %eq3A_256 = vector.broadcast %broadcast_in_dim3A_255 : vector<8x1xf32> to vector<8x8192xf32>
    %eq3A_257 = arith.cmpf oeq, %get3A_252, %eq3A_256 : vector<8x8192xf32>
    %jit3A_258 = arith.constant 1073741824 : i32
    %broadcast_in_dim3A_259 = vector.broadcast %jit3A_258 : i32 to vector<8x8192xi32>
    %select_n3A_260 = arith.select %eq3A_257, %iota3A, %broadcast_in_dim3A_259 : vector<8x8192xi1>, vector<8x8192xi32>
    %reduce_min3A_261 = arith.constant dense<2147483647> : vector<8xi32>
    %reduce_min3A_262 = vector.multi_reduction <minsi>, %select_n3A_260, %reduce_min3A_261 [1] : vector<8x8192xi32> to vector<8xi32>
    %broadcast_in_dim3A_263 = vector.shape_cast %reduce_min3A_262 : vector<8xi32> to vector<8x1xi32>
    %swap3A_264 = arith.constant 16 : index
    %swap3A_265 = arith.constant 0 : index
    %swap3A_266 = vector.load %arg4[%swap3A_264, %swap3A_265] : memref<96x1xi32, #tpu.memory_space<vmem>>, vector<8x1xi32>
    tpu.vector_store %arg4[%swap3A_264, %swap3A_265], %broadcast_in_dim3A_263 {strides = array<i32>} : memref<96x1xi32, #tpu.memory_space<vmem>>, vector<8x1xi32>,
    %dma_wait3A_267 = arith.constant 31 : i32
    %dma_wait3A_268 = arith.constant 56 : i32
    %dma_wait3A_269 = arith.constant 0 : i32
    %dma_wait3A_270 = tpu.memref_slice %arg3[%dma_wait3A_268, %dma_wait3A_269] : memref<128x8192xf32, #tpu.memory_space<vmem>> -> memref<8x8192xf32, #tpu.memory_space<vmem>>
    %dma_wait3A_271 = arith.constant 56 : i32
    %dma_wait3A_272 = arith.constant 0 : i32
    %dma_wait3A_273 = tpu.memref_slice %arg0[%dma_wait3A_271, %dma_wait3A_267, %dma_wait3A_272] : memref<128x32x8192xf32, #tpu.memory_space<hbm>> -> memref<8x1x8192xf32, #tpu.memory_space<hbm>>
    %dma_wait3A_274 = tpu.memref_squeeze %dma_wait3A_273 : memref<8x1x8192xf32, #tpu.memory_space<hbm>> -> memref<8x8192xf32, #tpu.memory_space<hbm>>
    tpu.wait_dma2 semaphore(%arg5 : memref<!tpu.dma_semaphore, #tpu.memory_space<semaphore_mem>>) src(%dma_wait3A_274 : memref<8x8192xf32, #tpu.memory_space<hbm>>) dst(%dma_wait3A_270 : memref<8x8192xf32, #tpu.memory_space<vmem>>)
    %dma_start3A_275 = arith.constant 56 : i32
    %dma_start3A_276 = arith.constant 0 : i32
    %dma_start3A_277 = tpu.memref_slice %arg1[%dma_start3A_275, %dma_start3A_276] : memref<128x8192xf32, #tpu.memory_space<hbm>> -> memref<8x8192xf32, #tpu.memory_space<hbm>>
    %dma_start3A_278 = arith.constant 56 : i32
    %dma_start3A_279 = arith.constant 0 : i32
    %dma_start3A_280 = tpu.memref_slice %arg3[%dma_start3A_278, %dma_start3A_279] : memref<128x8192xf32, #tpu.memory_space<vmem>> -> memref<8x8192xf32, #tpu.memory_space<vmem>>
    tpu.enqueue_dma source(%dma_start3A_280 : memref<8x8192xf32, #tpu.memory_space<vmem>>) target(%dma_start3A_277 : memref<8x8192xf32, #tpu.memory_space<hbm>>) target_semaphore(%arg6 : memref<!tpu.dma_semaphore, #tpu.memory_space<semaphore_mem>>)
    %get3A_281 = arith.constant 56 : index
    %get3A_282 = arith.constant 0 : index
    %get3A_283 = vector.load %arg3[%get3A_281, %get3A_282] : memref<128x8192xf32, #tpu.memory_space<vmem>>, vector<8x8192xf32>
    %reduce_max3A_284 = arith.constant dense<0xFF800000> : vector<8xf32>
    %reduce_max3A_285 = vector.multi_reduction <maximumf>, %get3A_283, %reduce_max3A_284 [1] : vector<8x8192xf32> to vector<8xf32>
    %broadcast_in_dim3A_286 = vector.shape_cast %reduce_max3A_285 : vector<8xf32> to vector<8x1xf32>
    %eq3A_287 = vector.broadcast %broadcast_in_dim3A_286 : vector<8x1xf32> to vector<8x8192xf32>
    %eq3A_288 = arith.cmpf oeq, %get3A_283, %eq3A_287 : vector<8x8192xf32>
    %jit3A_289 = arith.constant 1073741824 : i32
    %broadcast_in_dim3A_290 = vector.broadcast %jit3A_289 : i32 to vector<8x8192xi32>
    %select_n3A_291 = arith.select %eq3A_288, %iota3A, %broadcast_in_dim3A_290 : vector<8x8192xi1>, vector<8x8192xi32>
    %reduce_min3A_292 = arith.constant dense<2147483647> : vector<8xi32>
    %reduce_min3A_293 = vector.multi_reduction <minsi>, %select_n3A_291, %reduce_min3A_292 [1] : vector<8x8192xi32> to vector<8xi32>
    %broadcast_in_dim3A_294 = vector.shape_cast %reduce_min3A_293 : vector<8xi32> to vector<8x1xi32>
    %swap3A_295 = arith.constant 24 : index
    %swap3A_296 = arith.constant 0 : index
    %swap3A_297 = vector.load %arg4[%swap3A_295, %swap3A_296] : memref<96x1xi32, #tpu.memory_space<vmem>>, vector<8x1xi32>
    tpu.vector_store %arg4[%swap3A_295, %swap3A_296], %broadcast_in_dim3A_294 {strides = array<i32>} : memref<96x1xi32, #tpu.memory_space<vmem>>, vector<8x1xi32>,
    %dma_wait3A_298 = arith.constant 31 : i32
    %dma_wait3A_299 = arith.constant 64 : i32
    %dma_wait3A_300 = arith.constant 0 : i32
    %dma_wait3A_301 = tpu.memref_slice %arg3[%dma_wait3A_299, %dma_wait3A_300] : memref<128x8192xf32, #tpu.memory_space<vmem>> -> memref<8x8192xf32, #tpu.memory_space<vmem>>
    %dma_wait3A_302 = arith.constant 64 : i32
    %dma_wait3A_303 = arith.constant 0 : i32
    %dma_wait3A_304 = tpu.memref_slice %arg0[%dma_wait3A_302, %dma_wait3A_298, %dma_wait3A_303] : memref<128x32x8192xf32, #tpu.memory_space<hbm>> -> memref<8x1x8192xf32, #tpu.memory_space<hbm>>
    %dma_wait3A_305 = tpu.memref_squeeze %dma_wait3A_304 : memref<8x1x8192xf32, #tpu.memory_space<hbm>> -> memref<8x8192xf32, #tpu.memory_space<hbm>>
    tpu.wait_dma2 semaphore(%arg5 : memref<!tpu.dma_semaphore, #tpu.memory_space<semaphore_mem>>) src(%dma_wait3A_305 : memref<8x8192xf32, #tpu.memory_space<hbm>>) dst(%dma_wait3A_301 : memref<8x8192xf32, #tpu.memory_space<vmem>>)
    %dma_start3A_306 = arith.constant 64 : i32
    %dma_start3A_307 = arith.constant 0 : i32
    %dma_start3A_308 = tpu.memref_slice %arg1[%dma_start3A_306, %dma_start3A_307] : memref<128x8192xf32, #tpu.memory_space<hbm>> -> memref<8x8192xf32, #tpu.memory_space<hbm>>
    %dma_start3A_309 = arith.constant 64 : i32
    %dma_start3A_310 = arith.constant 0 : i32
    %dma_start3A_311 = tpu.memref_slice %arg3[%dma_start3A_309, %dma_start3A_310] : memref<128x8192xf32, #tpu.memory_space<vmem>> -> memref<8x8192xf32, #tpu.memory_space<vmem>>
    tpu.enqueue_dma source(%dma_start3A_311 : memref<8x8192xf32, #tpu.memory_space<vmem>>) target(%dma_start3A_308 : memref<8x8192xf32, #tpu.memory_space<hbm>>) target_semaphore(%arg6 : memref<!tpu.dma_semaphore, #tpu.memory_space<semaphore_mem>>)
    %get3A_312 = arith.constant 64 : index
    %get3A_313 = arith.constant 0 : index
    %get3A_314 = vector.load %arg3[%get3A_312, %get3A_313] : memref<128x8192xf32, #tpu.memory_space<vmem>>, vector<8x8192xf32>
    %reduce_max3A_315 = arith.constant dense<0xFF800000> : vector<8xf32>
    %reduce_max3A_316 = vector.multi_reduction <maximumf>, %get3A_314, %reduce_max3A_315 [1] : vector<8x8192xf32> to vector<8xf32>
    %broadcast_in_dim3A_317 = vector.shape_cast %reduce_max3A_316 : vector<8xf32> to vector<8x1xf32>
    %eq3A_318 = vector.broadcast %broadcast_in_dim3A_317 : vector<8x1xf32> to vector<8x8192xf32>
    %eq3A_319 = arith.cmpf oeq, %get3A_314, %eq3A_318 : vector<8x8192xf32>
    %jit3A_320 = arith.constant 1073741824 : i32
    %broadcast_in_dim3A_321 = vector.broadcast %jit3A_320 : i32 to vector<8x8192xi32>
    %select_n3A_322 = arith.select %eq3A_319, %iota3A, %broadcast_in_dim3A_321 : vector<8x8192xi1>, vector<8x8192xi32>
    %reduce_min3A_323 = arith.constant dense<2147483647> : vector<8xi32>
    %reduce_min3A_324 = vector.multi_reduction <minsi>, %select_n3A_322, %reduce_min3A_323 [1] : vector<8x8192xi32> to vector<8xi32>
    %broadcast_in_dim3A_325 = vector.shape_cast %reduce_min3A_324 : vector<8xi32> to vector<8x1xi32>
    %swap3A_326 = arith.constant 32 : index
    %swap3A_327 = arith.constant 0 : index
    %swap3A_328 = vector.load %arg4[%swap3A_326, %swap3A_327] : memref<96x1xi32, #tpu.memory_space<vmem>>, vector<8x1xi32>
    tpu.vector_store %arg4[%swap3A_326, %swap3A_327], %broadcast_in_dim3A_325 {strides = array<i32>} : memref<96x1xi32, #tpu.memory_space<vmem>>, vector<8x1xi32>,
    %dma_wait3A_329 = arith.constant 31 : i32
    %dma_wait3A_330 = arith.constant 72 : i32
    %dma_wait3A_331 = arith.constant 0 : i32
    %dma_wait3A_332 = tpu.memref_slice %arg3[%dma_wait3A_330, %dma_wait3A_331] : memref<128x8192xf32, #tpu.memory_space<vmem>> -> memref<8x8192xf32, #tpu.memory_space<vmem>>
    %dma_wait3A_333 = arith.constant 72 : i32
    %dma_wait3A_334 = arith.constant 0 : i32
    %dma_wait3A_335 = tpu.memref_slice %arg0[%dma_wait3A_333, %dma_wait3A_329, %dma_wait3A_334] : memref<128x32x8192xf32, #tpu.memory_space<hbm>> -> memref<8x1x8192xf32, #tpu.memory_space<hbm>>
    %dma_wait3A_336 = tpu.memref_squeeze %dma_wait3A_335 : memref<8x1x8192xf32, #tpu.memory_space<hbm>> -> memref<8x8192xf32, #tpu.memory_space<hbm>>
    tpu.wait_dma2 semaphore(%arg5 : memref<!tpu.dma_semaphore, #tpu.memory_space<semaphore_mem>>) src(%dma_wait3A_336 : memref<8x8192xf32, #tpu.memory_space<hbm>>) dst(%dma_wait3A_332 : memref<8x8192xf32, #tpu.memory_space<vmem>>)
    %dma_start3A_337 = arith.constant 72 : i32
    %dma_start3A_338 = arith.constant 0 : i32
    %dma_start3A_339 = tpu.memref_slice %arg1[%dma_start3A_337, %dma_start3A_338] : memref<128x8192xf32, #tpu.memory_space<hbm>> -> memref<8x8192xf32, #tpu.memory_space<hbm>>
    %dma_start3A_340 = arith.constant 72 : i32
    %dma_start3A_341 = arith.constant 0 : i32
    %dma_start3A_342 = tpu.memref_slice %arg3[%dma_start3A_340, %dma_start3A_341] : memref<128x8192xf32, #tpu.memory_space<vmem>> -> memref<8x8192xf32, #tpu.memory_space<vmem>>
    tpu.enqueue_dma source(%dma_start3A_342 : memref<8x8192xf32, #tpu.memory_space<vmem>>) target(%dma_start3A_339 : memref<8x8192xf32, #tpu.memory_space<hbm>>) target_semaphore(%arg6 : memref<!tpu.dma_semaphore, #tpu.memory_space<semaphore_mem>>)
    %get3A_343 = arith.constant 72 : index
    %get3A_344 = arith.constant 0 : index
    %get3A_345 = vector.load %arg3[%get3A_343, %get3A_344] : memref<128x8192xf32, #tpu.memory_space<vmem>>, vector<8x8192xf32>
    %reduce_max3A_346 = arith.constant dense<0xFF800000> : vector<8xf32>
    %reduce_max3A_347 = vector.multi_reduction <maximumf>, %get3A_345, %reduce_max3A_346 [1] : vector<8x8192xf32> to vector<8xf32>
    %broadcast_in_dim3A_348 = vector.shape_cast %reduce_max3A_347 : vector<8xf32> to vector<8x1xf32>
    %eq3A_349 = vector.broadcast %broadcast_in_dim3A_348 : vector<8x1xf32> to vector<8x8192xf32>
    %eq3A_350 = arith.cmpf oeq, %get3A_345, %eq3A_349 : vector<8x8192xf32>
    %jit3A_351 = arith.constant 1073741824 : i32
    %broadcast_in_dim3A_352 = vector.broadcast %jit3A_351 : i32 to vector<8x8192xi32>
    %select_n3A_353 = arith.select %eq3A_350, %iota3A, %broadcast_in_dim3A_352 : vector<8x8192xi1>, vector<8x8192xi32>
    %reduce_min3A_354 = arith.constant dense<2147483647> : vector<8xi32>
    %reduce_min3A_355 = vector.multi_reduction <minsi>, %select_n3A_353, %reduce_min3A_354 [1] : vector<8x8192xi32> to vector<8xi32>
    %broadcast_in_dim3A_356 = vector.shape_cast %reduce_min3A_355 : vector<8xi32> to vector<8x1xi32>
    %swap3A_357 = arith.constant 40 : index
    %swap3A_358 = arith.constant 0 : index
    %swap3A_359 = vector.load %arg4[%swap3A_357, %swap3A_358] : memref<96x1xi32, #tpu.memory_space<vmem>>, vector<8x1xi32>
    tpu.vector_store %arg4[%swap3A_357, %swap3A_358], %broadcast_in_dim3A_356 {strides = array<i32>} : memref<96x1xi32, #tpu.memory_space<vmem>>, vector<8x1xi32>,
    %dma_wait3A_360 = arith.constant 31 : i32
    %dma_wait3A_361 = arith.constant 80 : i32
    %dma_wait3A_362 = arith.constant 0 : i32
    %dma_wait3A_363 = tpu.memref_slice %arg3[%dma_wait3A_361, %dma_wait3A_362] : memref<128x8192xf32, #tpu.memory_space<vmem>> -> memref<8x8192xf32, #tpu.memory_space<vmem>>
    %dma_wait3A_364 = arith.constant 80 : i32
    %dma_wait3A_365 = arith.constant 0 : i32
    %dma_wait3A_366 = tpu.memref_slice %arg0[%dma_wait3A_364, %dma_wait3A_360, %dma_wait3A_365] : memref<128x32x8192xf32, #tpu.memory_space<hbm>> -> memref<8x1x8192xf32, #tpu.memory_space<hbm>>
    %dma_wait3A_367 = tpu.memref_squeeze %dma_wait3A_366 : memref<8x1x8192xf32, #tpu.memory_space<hbm>> -> memref<8x8192xf32, #tpu.memory_space<hbm>>
    tpu.wait_dma2 semaphore(%arg5 : memref<!tpu.dma_semaphore, #tpu.memory_space<semaphore_mem>>) src(%dma_wait3A_367 : memref<8x8192xf32, #tpu.memory_space<hbm>>) dst(%dma_wait3A_363 : memref<8x8192xf32, #tpu.memory_space<vmem>>)
    %dma_start3A_368 = arith.constant 80 : i32
    %dma_start3A_369 = arith.constant 0 : i32
    %dma_start3A_370 = tpu.memref_slice %arg1[%dma_start3A_368, %dma_start3A_369] : memref<128x8192xf32, #tpu.memory_space<hbm>> -> memref<8x8192xf32, #tpu.memory_space<hbm>>
    %dma_start3A_371 = arith.constant 80 : i32
    %dma_start3A_372 = arith.constant 0 : i32
    %dma_start3A_373 = tpu.memref_slice %arg3[%dma_start3A_371, %dma_start3A_372] : memref<128x8192xf32, #tpu.memory_space<vmem>> -> memref<8x8192xf32, #tpu.memory_space<vmem>>
    tpu.enqueue_dma source(%dma_start3A_373 : memref<8x8192xf32, #tpu.memory_space<vmem>>) target(%dma_start3A_370 : memref<8x8192xf32, #tpu.memory_space<hbm>>) target_semaphore(%arg6 : memref<!tpu.dma_semaphore, #tpu.memory_space<semaphore_mem>>)
    %get3A_374 = arith.constant 80 : index
    %get3A_375 = arith.constant 0 : index
    %get3A_376 = vector.load %arg3[%get3A_374, %get3A_375] : memref<128x8192xf32, #tpu.memory_space<vmem>>, vector<8x8192xf32>
    %reduce_max3A_377 = arith.constant dense<0xFF800000> : vector<8xf32>
    %reduce_max3A_378 = vector.multi_reduction <maximumf>, %get3A_376, %reduce_max3A_377 [1] : vector<8x8192xf32> to vector<8xf32>
    %broadcast_in_dim3A_379 = vector.shape_cast %reduce_max3A_378 : vector<8xf32> to vector<8x1xf32>
    %eq3A_380 = vector.broadcast %broadcast_in_dim3A_379 : vector<8x1xf32> to vector<8x8192xf32>
    %eq3A_381 = arith.cmpf oeq, %get3A_376, %eq3A_380 : vector<8x8192xf32>
    %jit3A_382 = arith.constant 1073741824 : i32
    %broadcast_in_dim3A_383 = vector.broadcast %jit3A_382 : i32 to vector<8x8192xi32>
    %select_n3A_384 = arith.select %eq3A_381, %iota3A, %broadcast_in_dim3A_383 : vector<8x8192xi1>, vector<8x8192xi32>
    %reduce_min3A_385 = arith.constant dense<2147483647> : vector<8xi32>
    %reduce_min3A_386 = vector.multi_reduction <minsi>, %select_n3A_384, %reduce_min3A_385 [1] : vector<8x8192xi32> to vector<8xi32>
    %broadcast_in_dim3A_387 = vector.shape_cast %reduce_min3A_386 : vector<8xi32> to vector<8x1xi32>
    %swap3A_388 = arith.constant 48 : index
    %swap3A_389 = arith.constant 0 : index
    %swap3A_390 = vector.load %arg4[%swap3A_388, %swap3A_389] : memref<96x1xi32, #tpu.memory_space<vmem>>, vector<8x1xi32>
    tpu.vector_store %arg4[%swap3A_388, %swap3A_389], %broadcast_in_dim3A_387 {strides = array<i32>} : memref<96x1xi32, #tpu.memory_space<vmem>>, vector<8x1xi32>,
    %dma_wait3A_391 = arith.constant 31 : i32
    %dma_wait3A_392 = arith.constant 88 : i32
    %dma_wait3A_393 = arith.constant 0 : i32
    %dma_wait3A_394 = tpu.memref_slice %arg3[%dma_wait3A_392, %dma_wait3A_393] : memref<128x8192xf32, #tpu.memory_space<vmem>> -> memref<8x8192xf32, #tpu.memory_space<vmem>>
    %dma_wait3A_395 = arith.constant 88 : i32
    %dma_wait3A_396 = arith.constant 0 : i32
    %dma_wait3A_397 = tpu.memref_slice %arg0[%dma_wait3A_395, %dma_wait3A_391, %dma_wait3A_396] : memref<128x32x8192xf32, #tpu.memory_space<hbm>> -> memref<8x1x8192xf32, #tpu.memory_space<hbm>>
    %dma_wait3A_398 = tpu.memref_squeeze %dma_wait3A_397 : memref<8x1x8192xf32, #tpu.memory_space<hbm>> -> memref<8x8192xf32, #tpu.memory_space<hbm>>
    tpu.wait_dma2 semaphore(%arg5 : memref<!tpu.dma_semaphore, #tpu.memory_space<semaphore_mem>>) src(%dma_wait3A_398 : memref<8x8192xf32, #tpu.memory_space<hbm>>) dst(%dma_wait3A_394 : memref<8x8192xf32, #tpu.memory_space<vmem>>)
    %dma_start3A_399 = arith.constant 88 : i32
    %dma_start3A_400 = arith.constant 0 : i32
    %dma_start3A_401 = tpu.memref_slice %arg1[%dma_start3A_399, %dma_start3A_400] : memref<128x8192xf32, #tpu.memory_space<hbm>> -> memref<8x8192xf32, #tpu.memory_space<hbm>>
    %dma_start3A_402 = arith.constant 88 : i32
    %dma_start3A_403 = arith.constant 0 : i32
    %dma_start3A_404 = tpu.memref_slice %arg3[%dma_start3A_402, %dma_start3A_403] : memref<128x8192xf32, #tpu.memory_space<vmem>> -> memref<8x8192xf32, #tpu.memory_space<vmem>>
    tpu.enqueue_dma source(%dma_start3A_404 : memref<8x8192xf32, #tpu.memory_space<vmem>>) target(%dma_start3A_401 : memref<8x8192xf32, #tpu.memory_space<hbm>>) target_semaphore(%arg6 : memref<!tpu.dma_semaphore, #tpu.memory_space<semaphore_mem>>)
    %get3A_405 = arith.constant 88 : index
    %get3A_406 = arith.constant 0 : index
    %get3A_407 = vector.load %arg3[%get3A_405, %get3A_406] : memref<128x8192xf32, #tpu.memory_space<vmem>>, vector<8x8192xf32>
    %reduce_max3A_408 = arith.constant dense<0xFF800000> : vector<8xf32>
    %reduce_max3A_409 = vector.multi_reduction <maximumf>, %get3A_407, %reduce_max3A_408 [1] : vector<8x8192xf32> to vector<8xf32>
    %broadcast_in_dim3A_410 = vector.shape_cast %reduce_max3A_409 : vector<8xf32> to vector<8x1xf32>
    %eq3A_411 = vector.broadcast %broadcast_in_dim3A_410 : vector<8x1xf32> to vector<8x8192xf32>
    %eq3A_412 = arith.cmpf oeq, %get3A_407, %eq3A_411 : vector<8x8192xf32>
    %jit3A_413 = arith.constant 1073741824 : i32
    %broadcast_in_dim3A_414 = vector.broadcast %jit3A_413 : i32 to vector<8x8192xi32>
    %select_n3A_415 = arith.select %eq3A_412, %iota3A, %broadcast_in_dim3A_414 : vector<8x8192xi1>, vector<8x8192xi32>
    %reduce_min3A_416 = arith.constant dense<2147483647> : vector<8xi32>
    %reduce_min3A_417 = vector.multi_reduction <minsi>, %select_n3A_415, %reduce_min3A_416 [1] : vector<8x8192xi32> to vector<8xi32>
    %broadcast_in_dim3A_418 = vector.shape_cast %reduce_min3A_417 : vector<8xi32> to vector<8x1xi32>
    %swap3A_419 = arith.constant 56 : index
    %swap3A_420 = arith.constant 0 : index
    %swap3A_421 = vector.load %arg4[%swap3A_419, %swap3A_420] : memref<96x1xi32, #tpu.memory_space<vmem>>, vector<8x1xi32>
    tpu.vector_store %arg4[%swap3A_419, %swap3A_420], %broadcast_in_dim3A_418 {strides = array<i32>} : memref<96x1xi32, #tpu.memory_space<vmem>>, vector<8x1xi32>,
    %dma_wait3A_422 = arith.constant 31 : i32
    %dma_wait3A_423 = arith.constant 96 : i32
    %dma_wait3A_424 = arith.constant 0 : i32
    %dma_wait3A_425 = tpu.memref_slice %arg3[%dma_wait3A_423, %dma_wait3A_424] : memref<128x8192xf32, #tpu.memory_space<vmem>> -> memref<8x8192xf32, #tpu.memory_space<vmem>>
    %dma_wait3A_426 = arith.constant 96 : i32
    %dma_wait3A_427 = arith.constant 0 : i32
    %dma_wait3A_428 = tpu.memref_slice %arg0[%dma_wait3A_426, %dma_wait3A_422, %dma_wait3A_427] : memref<128x32x8192xf32, #tpu.memory_space<hbm>> -> memref<8x1x8192xf32, #tpu.memory_space<hbm>>
    %dma_wait3A_429 = tpu.memref_squeeze %dma_wait3A_428 : memref<8x1x8192xf32, #tpu.memory_space<hbm>> -> memref<8x8192xf32, #tpu.memory_space<hbm>>
    tpu.wait_dma2 semaphore(%arg5 : memref<!tpu.dma_semaphore, #tpu.memory_space<semaphore_mem>>) src(%dma_wait3A_429 : memref<8x8192xf32, #tpu.memory_space<hbm>>) dst(%dma_wait3A_425 : memref<8x8192xf32, #tpu.memory_space<vmem>>)
    %dma_start3A_430 = arith.constant 96 : i32
    %dma_start3A_431 = arith.constant 0 : i32
    %dma_start3A_432 = tpu.memref_slice %arg1[%dma_start3A_430, %dma_start3A_431] : memref<128x8192xf32, #tpu.memory_space<hbm>> -> memref<8x8192xf32, #tpu.memory_space<hbm>>
    %dma_start3A_433 = arith.constant 96 : i32
    %dma_start3A_434 = arith.constant 0 : i32
    %dma_start3A_435 = tpu.memref_slice %arg3[%dma_start3A_433, %dma_start3A_434] : memref<128x8192xf32, #tpu.memory_space<vmem>> -> memref<8x8192xf32, #tpu.memory_space<vmem>>
    tpu.enqueue_dma source(%dma_start3A_435 : memref<8x8192xf32, #tpu.memory_space<vmem>>) target(%dma_start3A_432 : memref<8x8192xf32, #tpu.memory_space<hbm>>) target_semaphore(%arg6 : memref<!tpu.dma_semaphore, #tpu.memory_space<semaphore_mem>>)
    %get3A_436 = arith.constant 96 : index
    %get3A_437 = arith.constant 0 : index
    %get3A_438 = vector.load %arg3[%get3A_436, %get3A_437] : memref<128x8192xf32, #tpu.memory_space<vmem>>, vector<8x8192xf32>
    %reduce_max3A_439 = arith.constant dense<0xFF800000> : vector<8xf32>
    %reduce_max3A_440 = vector.multi_reduction <maximumf>, %get3A_438, %reduce_max3A_439 [1] : vector<8x8192xf32> to vector<8xf32>
    %broadcast_in_dim3A_441 = vector.shape_cast %reduce_max3A_440 : vector<8xf32> to vector<8x1xf32>
    %eq3A_442 = vector.broadcast %broadcast_in_dim3A_441 : vector<8x1xf32> to vector<8x8192xf32>
    %eq3A_443 = arith.cmpf oeq, %get3A_438, %eq3A_442 : vector<8x8192xf32>
    %jit3A_444 = arith.constant 1073741824 : i32
    %broadcast_in_dim3A_445 = vector.broadcast %jit3A_444 : i32 to vector<8x8192xi32>
    %select_n3A_446 = arith.select %eq3A_443, %iota3A, %broadcast_in_dim3A_445 : vector<8x8192xi1>, vector<8x8192xi32>
    %reduce_min3A_447 = arith.constant dense<2147483647> : vector<8xi32>
    %reduce_min3A_448 = vector.multi_reduction <minsi>, %select_n3A_446, %reduce_min3A_447 [1] : vector<8x8192xi32> to vector<8xi32>
    %broadcast_in_dim3A_449 = vector.shape_cast %reduce_min3A_448 : vector<8xi32> to vector<8x1xi32>
    %swap3A_450 = arith.constant 64 : index
    %swap3A_451 = arith.constant 0 : index
    %swap3A_452 = vector.load %arg4[%swap3A_450, %swap3A_451] : memref<96x1xi32, #tpu.memory_space<vmem>>, vector<8x1xi32>
    tpu.vector_store %arg4[%swap3A_450, %swap3A_451], %broadcast_in_dim3A_449 {strides = array<i32>} : memref<96x1xi32, #tpu.memory_space<vmem>>, vector<8x1xi32>,
    %dma_wait3A_453 = arith.constant 31 : i32
    %dma_wait3A_454 = arith.constant 104 : i32
    %dma_wait3A_455 = arith.constant 0 : i32
    %dma_wait3A_456 = tpu.memref_slice %arg3[%dma_wait3A_454, %dma_wait3A_455] : memref<128x8192xf32, #tpu.memory_space<vmem>> -> memref<8x8192xf32, #tpu.memory_space<vmem>>
    %dma_wait3A_457 = arith.constant 104 : i32
    %dma_wait3A_458 = arith.constant 0 : i32
    %dma_wait3A_459 = tpu.memref_slice %arg0[%dma_wait3A_457, %dma_wait3A_453, %dma_wait3A_458] : memref<128x32x8192xf32, #tpu.memory_space<hbm>> -> memref<8x1x8192xf32, #tpu.memory_space<hbm>>
    %dma_wait3A_460 = tpu.memref_squeeze %dma_wait3A_459 : memref<8x1x8192xf32, #tpu.memory_space<hbm>> -> memref<8x8192xf32, #tpu.memory_space<hbm>>
    tpu.wait_dma2 semaphore(%arg5 : memref<!tpu.dma_semaphore, #tpu.memory_space<semaphore_mem>>) src(%dma_wait3A_460 : memref<8x8192xf32, #tpu.memory_space<hbm>>) dst(%dma_wait3A_456 : memref<8x8192xf32, #tpu.memory_space<vmem>>)
    %dma_start3A_461 = arith.constant 104 : i32
    %dma_start3A_462 = arith.constant 0 : i32
    %dma_start3A_463 = tpu.memref_slice %arg1[%dma_start3A_461, %dma_start3A_462] : memref<128x8192xf32, #tpu.memory_space<hbm>> -> memref<8x8192xf32, #tpu.memory_space<hbm>>
    %dma_start3A_464 = arith.constant 104 : i32
    %dma_start3A_465 = arith.constant 0 : i32
    %dma_start3A_466 = tpu.memref_slice %arg3[%dma_start3A_464, %dma_start3A_465] : memref<128x8192xf32, #tpu.memory_space<vmem>> -> memref<8x8192xf32, #tpu.memory_space<vmem>>
    tpu.enqueue_dma source(%dma_start3A_466 : memref<8x8192xf32, #tpu.memory_space<vmem>>) target(%dma_start3A_463 : memref<8x8192xf32, #tpu.memory_space<hbm>>) target_semaphore(%arg6 : memref<!tpu.dma_semaphore, #tpu.memory_space<semaphore_mem>>)
    %get3A_467 = arith.constant 104 : index
    %get3A_468 = arith.constant 0 : index
    %get3A_469 = vector.load %arg3[%get3A_467, %get3A_468] : memref<128x8192xf32, #tpu.memory_space<vmem>>, vector<8x8192xf32>
    %reduce_max3A_470 = arith.constant dense<0xFF800000> : vector<8xf32>
    %reduce_max3A_471 = vector.multi_reduction <maximumf>, %get3A_469, %reduce_max3A_470 [1] : vector<8x8192xf32> to vector<8xf32>
    %broadcast_in_dim3A_472 = vector.shape_cast %reduce_max3A_471 : vector<8xf32> to vector<8x1xf32>
    %eq3A_473 = vector.broadcast %broadcast_in_dim3A_472 : vector<8x1xf32> to vector<8x8192xf32>
    %eq3A_474 = arith.cmpf oeq, %get3A_469, %eq3A_473 : vector<8x8192xf32>
    %jit3A_475 = arith.constant 1073741824 : i32
    %broadcast_in_dim3A_476 = vector.broadcast %jit3A_475 : i32 to vector<8x8192xi32>
    %select_n3A_477 = arith.select %eq3A_474, %iota3A, %broadcast_in_dim3A_476 : vector<8x8192xi1>, vector<8x8192xi32>
    %reduce_min3A_478 = arith.constant dense<2147483647> : vector<8xi32>
    %reduce_min3A_479 = vector.multi_reduction <minsi>, %select_n3A_477, %reduce_min3A_478 [1] : vector<8x8192xi32> to vector<8xi32>
    %broadcast_in_dim3A_480 = vector.shape_cast %reduce_min3A_479 : vector<8xi32> to vector<8x1xi32>
    %swap3A_481 = arith.constant 72 : index
    %swap3A_482 = arith.constant 0 : index
    %swap3A_483 = vector.load %arg4[%swap3A_481, %swap3A_482] : memref<96x1xi32, #tpu.memory_space<vmem>>, vector<8x1xi32>
    tpu.vector_store %arg4[%swap3A_481, %swap3A_482], %broadcast_in_dim3A_480 {strides = array<i32>} : memref<96x1xi32, #tpu.memory_space<vmem>>, vector<8x1xi32>,
    %dma_wait3A_484 = arith.constant 31 : i32
    %dma_wait3A_485 = arith.constant 112 : i32
    %dma_wait3A_486 = arith.constant 0 : i32
    %dma_wait3A_487 = tpu.memref_slice %arg3[%dma_wait3A_485, %dma_wait3A_486] : memref<128x8192xf32, #tpu.memory_space<vmem>> -> memref<8x8192xf32, #tpu.memory_space<vmem>>
    %dma_wait3A_488 = arith.constant 112 : i32
    %dma_wait3A_489 = arith.constant 0 : i32
    %dma_wait3A_490 = tpu.memref_slice %arg0[%dma_wait3A_488, %dma_wait3A_484, %dma_wait3A_489] : memref<128x32x8192xf32, #tpu.memory_space<hbm>> -> memref<8x1x8192xf32, #tpu.memory_space<hbm>>
    %dma_wait3A_491 = tpu.memref_squeeze %dma_wait3A_490 : memref<8x1x8192xf32, #tpu.memory_space<hbm>> -> memref<8x8192xf32, #tpu.memory_space<hbm>>
    tpu.wait_dma2 semaphore(%arg5 : memref<!tpu.dma_semaphore, #tpu.memory_space<semaphore_mem>>) src(%dma_wait3A_491 : memref<8x8192xf32, #tpu.memory_space<hbm>>) dst(%dma_wait3A_487 : memref<8x8192xf32, #tpu.memory_space<vmem>>)
    %dma_start3A_492 = arith.constant 112 : i32
    %dma_start3A_493 = arith.constant 0 : i32
    %dma_start3A_494 = tpu.memref_slice %arg1[%dma_start3A_492, %dma_start3A_493] : memref<128x8192xf32, #tpu.memory_space<hbm>> -> memref<8x8192xf32, #tpu.memory_space<hbm>>
    %dma_start3A_495 = arith.constant 112 : i32
    %dma_start3A_496 = arith.constant 0 : i32
    %dma_start3A_497 = tpu.memref_slice %arg3[%dma_start3A_495, %dma_start3A_496] : memref<128x8192xf32, #tpu.memory_space<vmem>> -> memref<8x8192xf32, #tpu.memory_space<vmem>>
    tpu.enqueue_dma source(%dma_start3A_497 : memref<8x8192xf32, #tpu.memory_space<vmem>>) target(%dma_start3A_494 : memref<8x8192xf32, #tpu.memory_space<hbm>>) target_semaphore(%arg6 : memref<!tpu.dma_semaphore, #tpu.memory_space<semaphore_mem>>)
    %get3A_498 = arith.constant 112 : index
    %get3A_499 = arith.constant 0 : index
    %get3A_500 = vector.load %arg3[%get3A_498, %get3A_499] : memref<128x8192xf32, #tpu.memory_space<vmem>>, vector<8x8192xf32>
    %reduce_max3A_501 = arith.constant dense<0xFF800000> : vector<8xf32>
    %reduce_max3A_502 = vector.multi_reduction <maximumf>, %get3A_500, %reduce_max3A_501 [1] : vector<8x8192xf32> to vector<8xf32>
    %broadcast_in_dim3A_503 = vector.shape_cast %reduce_max3A_502 : vector<8xf32> to vector<8x1xf32>
    %eq3A_504 = vector.broadcast %broadcast_in_dim3A_503 : vector<8x1xf32> to vector<8x8192xf32>
    %eq3A_505 = arith.cmpf oeq, %get3A_500, %eq3A_504 : vector<8x8192xf32>
    %jit3A_506 = arith.constant 1073741824 : i32
    %broadcast_in_dim3A_507 = vector.broadcast %jit3A_506 : i32 to vector<8x8192xi32>
    %select_n3A_508 = arith.select %eq3A_505, %iota3A, %broadcast_in_dim3A_507 : vector<8x8192xi1>, vector<8x8192xi32>
    %reduce_min3A_509 = arith.constant dense<2147483647> : vector<8xi32>
    %reduce_min3A_510 = vector.multi_reduction <minsi>, %select_n3A_508, %reduce_min3A_509 [1] : vector<8x8192xi32> to vector<8xi32>
    %broadcast_in_dim3A_511 = vector.shape_cast %reduce_min3A_510 : vector<8xi32> to vector<8x1xi32>
    %swap3A_512 = arith.constant 80 : index
    %swap3A_513 = arith.constant 0 : index
    %swap3A_514 = vector.load %arg4[%swap3A_512, %swap3A_513] : memref<96x1xi32, #tpu.memory_space<vmem>>, vector<8x1xi32>
    tpu.vector_store %arg4[%swap3A_512, %swap3A_513], %broadcast_in_dim3A_511 {strides = array<i32>} : memref<96x1xi32, #tpu.memory_space<vmem>>, vector<8x1xi32>,
    %dma_wait3A_515 = arith.constant 31 : i32
    %dma_wait3A_516 = arith.constant 120 : i32
    %dma_wait3A_517 = arith.constant 0 : i32
    %dma_wait3A_518 = tpu.memref_slice %arg3[%dma_wait3A_516, %dma_wait3A_517] : memref<128x8192xf32, #tpu.memory_space<vmem>> -> memref<8x8192xf32, #tpu.memory_space<vmem>>
    %dma_wait3A_519 = arith.constant 120 : i32
    %dma_wait3A_520 = arith.constant 0 : i32
    %dma_wait3A_521 = tpu.memref_slice %arg0[%dma_wait3A_519, %dma_wait3A_515, %dma_wait3A_520] : memref<128x32x8192xf32, #tpu.memory_space<hbm>> -> memref<8x1x8192xf32, #tpu.memory_space<hbm>>
    %dma_wait3A_522 = tpu.memref_squeeze %dma_wait3A_521 : memref<8x1x8192xf32, #tpu.memory_space<hbm>> -> memref<8x8192xf32, #tpu.memory_space<hbm>>
    tpu.wait_dma2 semaphore(%arg5 : memref<!tpu.dma_semaphore, #tpu.memory_space<semaphore_mem>>) src(%dma_wait3A_522 : memref<8x8192xf32, #tpu.memory_space<hbm>>) dst(%dma_wait3A_518 : memref<8x8192xf32, #tpu.memory_space<vmem>>)
    %dma_start3A_523 = arith.constant 120 : i32
    %dma_start3A_524 = arith.constant 0 : i32
    %dma_start3A_525 = tpu.memref_slice %arg1[%dma_start3A_523, %dma_start3A_524] : memref<128x8192xf32, #tpu.memory_space<hbm>> -> memref<8x8192xf32, #tpu.memory_space<hbm>>
    %dma_start3A_526 = arith.constant 120 : i32
    %dma_start3A_527 = arith.constant 0 : i32
    %dma_start3A_528 = tpu.memref_slice %arg3[%dma_start3A_526, %dma_start3A_527] : memref<128x8192xf32, #tpu.memory_space<vmem>> -> memref<8x8192xf32, #tpu.memory_space<vmem>>
    tpu.enqueue_dma source(%dma_start3A_528 : memref<8x8192xf32, #tpu.memory_space<vmem>>) target(%dma_start3A_525 : memref<8x8192xf32, #tpu.memory_space<hbm>>) target_semaphore(%arg6 : memref<!tpu.dma_semaphore, #tpu.memory_space<semaphore_mem>>)
    %get3A_529 = arith.constant 120 : index
    %get3A_530 = arith.constant 0 : index
    %get3A_531 = vector.load %arg3[%get3A_529, %get3A_530] : memref<128x8192xf32, #tpu.memory_space<vmem>>, vector<8x8192xf32>
    %reduce_max3A_532 = arith.constant dense<0xFF800000> : vector<8xf32>
    %reduce_max3A_533 = vector.multi_reduction <maximumf>, %get3A_531, %reduce_max3A_532 [1] : vector<8x8192xf32> to vector<8xf32>
    %broadcast_in_dim3A_534 = vector.shape_cast %reduce_max3A_533 : vector<8xf32> to vector<8x1xf32>
    %eq3A_535 = vector.broadcast %broadcast_in_dim3A_534 : vector<8x1xf32> to vector<8x8192xf32>
    %eq3A_536 = arith.cmpf oeq, %get3A_531, %eq3A_535 : vector<8x8192xf32>
    %jit3A_537 = arith.constant 1073741824 : i32
    %broadcast_in_dim3A_538 = vector.broadcast %jit3A_537 : i32 to vector<8x8192xi32>
    %select_n3A_539 = arith.select %eq3A_536, %iota3A, %broadcast_in_dim3A_538 : vector<8x8192xi1>, vector<8x8192xi32>
    %reduce_min3A_540 = arith.constant dense<2147483647> : vector<8xi32>
    %reduce_min3A_541 = vector.multi_reduction <minsi>, %select_n3A_539, %reduce_min3A_540 [1] : vector<8x8192xi32> to vector<8xi32>
    %broadcast_in_dim3A_542 = vector.shape_cast %reduce_min3A_541 : vector<8xi32> to vector<8x1xi32>
    %swap3A_543 = arith.constant 88 : index
    %swap3A_544 = arith.constant 0 : index
    %swap3A_545 = vector.load %arg4[%swap3A_543, %swap3A_544] : memref<96x1xi32, #tpu.memory_space<vmem>>, vector<8x1xi32>
    tpu.vector_store %arg4[%swap3A_543, %swap3A_544], %broadcast_in_dim3A_542 {strides = array<i32>} : memref<96x1xi32, #tpu.memory_space<vmem>>, vector<8x1xi32>,
    tpu.enqueue_dma source(%arg4 : memref<96x1xi32, #tpu.memory_space<vmem>>) target(%arg2 : memref<96x1xi32, #tpu.memory_space<hbm>>) target_semaphore(%arg7 : memref<!tpu.dma_semaphore, #tpu.memory_space<semaphore_mem>>)
    tpu.wait_dma2 semaphore(%arg7 : memref<!tpu.dma_semaphore, #tpu.memory_space<semaphore_mem>>) src(%arg4 : memref<96x1xi32, #tpu.memory_space<vmem>>) dst(%arg2 : memref<96x1xi32, #tpu.memory_space<hbm>>)
    %dma_wait3A_546 = arith.constant 0 : i32
    %dma_wait3A_547 = arith.constant 0 : i32
    %dma_wait3A_548 = tpu.memref_slice %arg1[%dma_wait3A_546, %dma_wait3A_547] : memref<128x8192xf32, #tpu.memory_space<hbm>> -> memref<8x8192xf32, #tpu.memory_space<hbm>>
    %dma_wait3A_549 = arith.constant 0 : i32
    %dma_wait3A_550 = arith.constant 0 : i32
    %dma_wait3A_551 = tpu.memref_slice %arg3[%dma_wait3A_549, %dma_wait3A_550] : memref<128x8192xf32, #tpu.memory_space<vmem>> -> memref<8x8192xf32, #tpu.memory_space<vmem>>
    tpu.wait_dma2 semaphore(%arg6 : memref<!tpu.dma_semaphore, #tpu.memory_space<semaphore_mem>>) src(%dma_wait3A_551 : memref<8x8192xf32, #tpu.memory_space<vmem>>) dst(%dma_wait3A_548 : memref<8x8192xf32, #tpu.memory_space<hbm>>)
    %dma_wait3A_552 = arith.constant 8 : i32
    %dma_wait3A_553 = arith.constant 0 : i32
    %dma_wait3A_554 = tpu.memref_slice %arg1[%dma_wait3A_552, %dma_wait3A_553] : memref<128x8192xf32, #tpu.memory_space<hbm>> -> memref<8x8192xf32, #tpu.memory_space<hbm>>
    %dma_wait3A_555 = arith.constant 8 : i32
    %dma_wait3A_556 = arith.constant 0 : i32
    %dma_wait3A_557 = tpu.memref_slice %arg3[%dma_wait3A_555, %dma_wait3A_556] : memref<128x8192xf32, #tpu.memory_space<vmem>> -> memref<8x8192xf32, #tpu.memory_space<vmem>>
    tpu.wait_dma2 semaphore(%arg6 : memref<!tpu.dma_semaphore, #tpu.memory_space<semaphore_mem>>) src(%dma_wait3A_557 : memref<8x8192xf32, #tpu.memory_space<vmem>>) dst(%dma_wait3A_554 : memref<8x8192xf32, #tpu.memory_space<hbm>>)
    %dma_wait3A_558 = arith.constant 16 : i32
    %dma_wait3A_559 = arith.constant 0 : i32
    %dma_wait3A_560 = tpu.memref_slice %arg1[%dma_wait3A_558, %dma_wait3A_559] : memref<128x8192xf32, #tpu.memory_space<hbm>> -> memref<8x8192xf32, #tpu.memory_space<hbm>>
    %dma_wait3A_561 = arith.constant 16 : i32
    %dma_wait3A_562 = arith.constant 0 : i32
    %dma_wait3A_563 = tpu.memref_slice %arg3[%dma_wait3A_561, %dma_wait3A_562] : memref<128x8192xf32, #tpu.memory_space<vmem>> -> memref<8x8192xf32, #tpu.memory_space<vmem>>
    tpu.wait_dma2 semaphore(%arg6 : memref<!tpu.dma_semaphore, #tpu.memory_space<semaphore_mem>>) src(%dma_wait3A_563 : memref<8x8192xf32, #tpu.memory_space<vmem>>) dst(%dma_wait3A_560 : memref<8x8192xf32, #tpu.memory_space<hbm>>)
    %dma_wait3A_564 = arith.constant 24 : i32
    %dma_wait3A_565 = arith.constant 0 : i32
    %dma_wait3A_566 = tpu.memref_slice %arg1[%dma_wait3A_564, %dma_wait3A_565] : memref<128x8192xf32, #tpu.memory_space<hbm>> -> memref<8x8192xf32, #tpu.memory_space<hbm>>
    %dma_wait3A_567 = arith.constant 24 : i32
    %dma_wait3A_568 = arith.constant 0 : i32
    %dma_wait3A_569 = tpu.memref_slice %arg3[%dma_wait3A_567, %dma_wait3A_568] : memref<128x8192xf32, #tpu.memory_space<vmem>> -> memref<8x8192xf32, #tpu.memory_space<vmem>>
    tpu.wait_dma2 semaphore(%arg6 : memref<!tpu.dma_semaphore, #tpu.memory_space<semaphore_mem>>) src(%dma_wait3A_569 : memref<8x8192xf32, #tpu.memory_space<vmem>>) dst(%dma_wait3A_566 : memref<8x8192xf32, #tpu.memory_space<hbm>>)
    %dma_wait3A_570 = arith.constant 32 : i32
    %dma_wait3A_571 = arith.constant 0 : i32
    %dma_wait3A_572 = tpu.memref_slice %arg1[%dma_wait3A_570, %dma_wait3A_571] : memref<128x8192xf32, #tpu.memory_space<hbm>> -> memref<8x8192xf32, #tpu.memory_space<hbm>>
    %dma_wait3A_573 = arith.constant 32 : i32
    %dma_wait3A_574 = arith.constant 0 : i32
    %dma_wait3A_575 = tpu.memref_slice %arg3[%dma_wait3A_573, %dma_wait3A_574] : memref<128x8192xf32, #tpu.memory_space<vmem>> -> memref<8x8192xf32, #tpu.memory_space<vmem>>
    tpu.wait_dma2 semaphore(%arg6 : memref<!tpu.dma_semaphore, #tpu.memory_space<semaphore_mem>>) src(%dma_wait3A_575 : memref<8x8192xf32, #tpu.memory_space<vmem>>) dst(%dma_wait3A_572 : memref<8x8192xf32, #tpu.memory_space<hbm>>)
    %dma_wait3A_576 = arith.constant 40 : i32
    %dma_wait3A_577 = arith.constant 0 : i32
    %dma_wait3A_578 = tpu.memref_slice %arg1[%dma_wait3A_576, %dma_wait3A_577] : memref<128x8192xf32, #tpu.memory_space<hbm>> -> memref<8x8192xf32, #tpu.memory_space<hbm>>
    %dma_wait3A_579 = arith.constant 40 : i32
    %dma_wait3A_580 = arith.constant 0 : i32
    %dma_wait3A_581 = tpu.memref_slice %arg3[%dma_wait3A_579, %dma_wait3A_580] : memref<128x8192xf32, #tpu.memory_space<vmem>> -> memref<8x8192xf32, #tpu.memory_space<vmem>>
    tpu.wait_dma2 semaphore(%arg6 : memref<!tpu.dma_semaphore, #tpu.memory_space<semaphore_mem>>) src(%dma_wait3A_581 : memref<8x8192xf32, #tpu.memory_space<vmem>>) dst(%dma_wait3A_578 : memref<8x8192xf32, #tpu.memory_space<hbm>>)
    %dma_wait3A_582 = arith.constant 48 : i32
    %dma_wait3A_583 = arith.constant 0 : i32
    %dma_wait3A_584 = tpu.memref_slice %arg1[%dma_wait3A_582, %dma_wait3A_583] : memref<128x8192xf32, #tpu.memory_space<hbm>> -> memref<8x8192xf32, #tpu.memory_space<hbm>>
    %dma_wait3A_585 = arith.constant 48 : i32
    %dma_wait3A_586 = arith.constant 0 : i32
    %dma_wait3A_587 = tpu.memref_slice %arg3[%dma_wait3A_585, %dma_wait3A_586] : memref<128x8192xf32, #tpu.memory_space<vmem>> -> memref<8x8192xf32, #tpu.memory_space<vmem>>
    tpu.wait_dma2 semaphore(%arg6 : memref<!tpu.dma_semaphore, #tpu.memory_space<semaphore_mem>>) src(%dma_wait3A_587 : memref<8x8192xf32, #tpu.memory_space<vmem>>) dst(%dma_wait3A_584 : memref<8x8192xf32, #tpu.memory_space<hbm>>)
    %dma_wait3A_588 = arith.constant 56 : i32
    %dma_wait3A_589 = arith.constant 0 : i32
    %dma_wait3A_590 = tpu.memref_slice %arg1[%dma_wait3A_588, %dma_wait3A_589] : memref<128x8192xf32, #tpu.memory_space<hbm>> -> memref<8x8192xf32, #tpu.memory_space<hbm>>
    %dma_wait3A_591 = arith.constant 56 : i32
    %dma_wait3A_592 = arith.constant 0 : i32
    %dma_wait3A_593 = tpu.memref_slice %arg3[%dma_wait3A_591, %dma_wait3A_592] : memref<128x8192xf32, #tpu.memory_space<vmem>> -> memref<8x8192xf32, #tpu.memory_space<vmem>>
    tpu.wait_dma2 semaphore(%arg6 : memref<!tpu.dma_semaphore, #tpu.memory_space<semaphore_mem>>) src(%dma_wait3A_593 : memref<8x8192xf32, #tpu.memory_space<vmem>>) dst(%dma_wait3A_590 : memref<8x8192xf32, #tpu.memory_space<hbm>>)
    %dma_wait3A_594 = arith.constant 64 : i32
    %dma_wait3A_595 = arith.constant 0 : i32
    %dma_wait3A_596 = tpu.memref_slice %arg1[%dma_wait3A_594, %dma_wait3A_595] : memref<128x8192xf32, #tpu.memory_space<hbm>> -> memref<8x8192xf32, #tpu.memory_space<hbm>>
    %dma_wait3A_597 = arith.constant 64 : i32
    %dma_wait3A_598 = arith.constant 0 : i32
    %dma_wait3A_599 = tpu.memref_slice %arg3[%dma_wait3A_597, %dma_wait3A_598] : memref<128x8192xf32, #tpu.memory_space<vmem>> -> memref<8x8192xf32, #tpu.memory_space<vmem>>
    tpu.wait_dma2 semaphore(%arg6 : memref<!tpu.dma_semaphore, #tpu.memory_space<semaphore_mem>>) src(%dma_wait3A_599 : memref<8x8192xf32, #tpu.memory_space<vmem>>) dst(%dma_wait3A_596 : memref<8x8192xf32, #tpu.memory_space<hbm>>)
    %dma_wait3A_600 = arith.constant 72 : i32
    %dma_wait3A_601 = arith.constant 0 : i32
    %dma_wait3A_602 = tpu.memref_slice %arg1[%dma_wait3A_600, %dma_wait3A_601] : memref<128x8192xf32, #tpu.memory_space<hbm>> -> memref<8x8192xf32, #tpu.memory_space<hbm>>
    %dma_wait3A_603 = arith.constant 72 : i32
    %dma_wait3A_604 = arith.constant 0 : i32
    %dma_wait3A_605 = tpu.memref_slice %arg3[%dma_wait3A_603, %dma_wait3A_604] : memref<128x8192xf32, #tpu.memory_space<vmem>> -> memref<8x8192xf32, #tpu.memory_space<vmem>>
    tpu.wait_dma2 semaphore(%arg6 : memref<!tpu.dma_semaphore, #tpu.memory_space<semaphore_mem>>) src(%dma_wait3A_605 : memref<8x8192xf32, #tpu.memory_space<vmem>>) dst(%dma_wait3A_602 : memref<8x8192xf32, #tpu.memory_space<hbm>>)
    %dma_wait3A_606 = arith.constant 80 : i32
    %dma_wait3A_607 = arith.constant 0 : i32
    %dma_wait3A_608 = tpu.memref_slice %arg1[%dma_wait3A_606, %dma_wait3A_607] : memref<128x8192xf32, #tpu.memory_space<hbm>> -> memref<8x8192xf32, #tpu.memory_space<hbm>>
    %dma_wait3A_609 = arith.constant 80 : i32
    %dma_wait3A_610 = arith.constant 0 : i32
    %dma_wait3A_611 = tpu.memref_slice %arg3[%dma_wait3A_609, %dma_wait3A_610] : memref<128x8192xf32, #tpu.memory_space<vmem>> -> memref<8x8192xf32, #tpu.memory_space<vmem>>
    tpu.wait_dma2 semaphore(%arg6 : memref<!tpu.dma_semaphore, #tpu.memory_space<semaphore_mem>>) src(%dma_wait3A_611 : memref<8x8192xf32, #tpu.memory_space<vmem>>) dst(%dma_wait3A_608 : memref<8x8192xf32, #tpu.memory_space<hbm>>)
    %dma_wait3A_612 = arith.constant 88 : i32
    %dma_wait3A_613 = arith.constant 0 : i32
    %dma_wait3A_614 = tpu.memref_slice %arg1[%dma_wait3A_612, %dma_wait3A_613] : memref<128x8192xf32, #tpu.memory_space<hbm>> -> memref<8x8192xf32, #tpu.memory_space<hbm>>
    %dma_wait3A_615 = arith.constant 88 : i32
    %dma_wait3A_616 = arith.constant 0 : i32
    %dma_wait3A_617 = tpu.memref_slice %arg3[%dma_wait3A_615, %dma_wait3A_616] : memref<128x8192xf32, #tpu.memory_space<vmem>> -> memref<8x8192xf32, #tpu.memory_space<vmem>>
    tpu.wait_dma2 semaphore(%arg6 : memref<!tpu.dma_semaphore, #tpu.memory_space<semaphore_mem>>) src(%dma_wait3A_617 : memref<8x8192xf32, #tpu.memory_space<vmem>>) dst(%dma_wait3A_614 : memref<8x8192xf32, #tpu.memory_space<hbm>>)
    %dma_wait3A_618 = arith.constant 96 : i32
    %dma_wait3A_619 = arith.constant 0 : i32
    %dma_wait3A_620 = tpu.memref_slice %arg1[%dma_wait3A_618, %dma_wait3A_619] : memref<128x8192xf32, #tpu.memory_space<hbm>> -> memref<8x8192xf32, #tpu.memory_space<hbm>>
    %dma_wait3A_621 = arith.constant 96 : i32
    %dma_wait3A_622 = arith.constant 0 : i32
    %dma_wait3A_623 = tpu.memref_slice %arg3[%dma_wait3A_621, %dma_wait3A_622] : memref<128x8192xf32, #tpu.memory_space<vmem>> -> memref<8x8192xf32, #tpu.memory_space<vmem>>
    tpu.wait_dma2 semaphore(%arg6 : memref<!tpu.dma_semaphore, #tpu.memory_space<semaphore_mem>>) src(%dma_wait3A_623 : memref<8x8192xf32, #tpu.memory_space<vmem>>) dst(%dma_wait3A_620 : memref<8x8192xf32, #tpu.memory_space<hbm>>)
    %dma_wait3A_624 = arith.constant 104 : i32
    %dma_wait3A_625 = arith.constant 0 : i32
    %dma_wait3A_626 = tpu.memref_slice %arg1[%dma_wait3A_624, %dma_wait3A_625] : memref<128x8192xf32, #tpu.memory_space<hbm>> -> memref<8x8192xf32, #tpu.memory_space<hbm>>
    %dma_wait3A_627 = arith.constant 104 : i32
    %dma_wait3A_628 = arith.constant 0 : i32
    %dma_wait3A_629 = tpu.memref_slice %arg3[%dma_wait3A_627, %dma_wait3A_628] : memref<128x8192xf32, #tpu.memory_space<vmem>> -> memref<8x8192xf32, #tpu.memory_space<vmem>>
    tpu.wait_dma2 semaphore(%arg6 : memref<!tpu.dma_semaphore, #tpu.memory_space<semaphore_mem>>) src(%dma_wait3A_629 : memref<8x8192xf32, #tpu.memory_space<vmem>>) dst(%dma_wait3A_626 : memref<8x8192xf32, #tpu.memory_space<hbm>>)
    %dma_wait3A_630 = arith.constant 112 : i32
    %dma_wait3A_631 = arith.constant 0 : i32
    %dma_wait3A_632 = tpu.memref_slice %arg1[%dma_wait3A_630, %dma_wait3A_631] : memref<128x8192xf32, #tpu.memory_space<hbm>> -> memref<8x8192xf32, #tpu.memory_space<hbm>>
    %dma_wait3A_633 = arith.constant 112 : i32
    %dma_wait3A_634 = arith.constant 0 : i32
    %dma_wait3A_635 = tpu.memref_slice %arg3[%dma_wait3A_633, %dma_wait3A_634] : memref<128x8192xf32, #tpu.memory_space<vmem>> -> memref<8x8192xf32, #tpu.memory_space<vmem>>
    tpu.wait_dma2 semaphore(%arg6 : memref<!tpu.dma_semaphore, #tpu.memory_space<semaphore_mem>>) src(%dma_wait3A_635 : memref<8x8192xf32, #tpu.memory_space<vmem>>) dst(%dma_wait3A_632 : memref<8x8192xf32, #tpu.memory_space<hbm>>)
    %dma_wait3A_636 = arith.constant 120 : i32
    %dma_wait3A_637 = arith.constant 0 : i32
    %dma_wait3A_638 = tpu.memref_slice %arg1[%dma_wait3A_636, %dma_wait3A_637] : memref<128x8192xf32, #tpu.memory_space<hbm>> -> memref<8x8192xf32, #tpu.memory_space<hbm>>
    %dma_wait3A_639 = arith.constant 120 : i32
    %dma_wait3A_640 = arith.constant 0 : i32
    %dma_wait3A_641 = tpu.memref_slice %arg3[%dma_wait3A_639, %dma_wait3A_640] : memref<128x8192xf32, #tpu.memory_space<vmem>> -> memref<8x8192xf32, #tpu.memory_space<vmem>>
    tpu.wait_dma2 semaphore(%arg6 : memref<!tpu.dma_semaphore, #tpu.memory_space<semaphore_mem>>) src(%dma_wait3A_641 : memref<8x8192xf32, #tpu.memory_space<vmem>>) dst(%dma_wait3A_638 : memref<8x8192xf32, #tpu.memory_space<hbm>>)
    return
  }
}

</mosaic_0001>

<sc_bundles>
// kernel: _candidate.4.cloned.1.call-start
scs
__scs_entry_jumppad:
0x0: {  	(pc) =	sbr.rel $0x88, $3  }
0x1: {  	(tag) =	ssettag $0x0;
	lr =	simm.s32 $0x1  }
0x2: {  	[smem:$0x3FA0] =	sst lr;
	_ =	strace $0xD0000000  }
0x3: {  	_ = 	snop  }
0x4: {  	_ = 	snop  }
0x5: {  	_ = 	snop  }
0x6: {  	_ = 	snop  }
0x7: {  	_ = 	snop  }
__scs_overlays_trampoline_lowered:
0x8: {  	[smem:$0x3FAF] =	sst s0  }
0x9: {  	[smem:$0x3FB0] =	sst s1  }
0xa: {  	[smem:$0x3FB1] =	sst s2  }
0xb: {  	[smem:$0x3FB2] =	sst s3  }
0xc: {  	[smem:$0x3FB3] =	sst s4  }
0xd: {  	[smem:$0x3FB4] =	sst s5  }
0xe: {  	[smem:$0x3FB5] =	sst s6  }
0xf: {  	[smem:$0x3FB6] =	sst s7  }
0x10: {  	[smem:$0x3FB7] =	sst s8  }
0x11: {  	[smem:$0x3FB8] =	sst s9;
	s0 =	simm.s32 @!p0 $0x0  }
0x12: {  	s1 =	sld [smem:$0x3F9E];
	s0 =	simm.s32 @p0 $0x1  }
0x13: {  	[smem:$0x3FB9] =	sst s0;
	s0 =	simm.s32 @!p1 $0x0  }
0x14: {  	s2 =	sld [smem:$0x3F9D];
	s0 =	simm.s32 @p1 $0x1  }
0x15: {  	[smem:$0x3FBA] =	sst s0;
	s0 =	simm.s32 @!p2 $0x0  }
0x16: {  	s3 =	sld [smem:$0x3FDB];
	s0 =	simm.s32 @p2 $0x1  }
0x17: {  	s4 =	simm.s32 $0x1BF5;
	[smem:$0x3FBC] =	sst s0  }
0x18: {  	s0 =	sld [smem:$0x3F9F];
	_ =	swait.ge [sflag:s4], $0x0  }
0x19: {  	s7 =	sld [smem:$0x3FA0]  }
0x1a: {  	s8 =	sadd.s32 $0xFFFFE003, lr  }
0x1b: {  	s9 =	sadd.s32 $0xFFFFFEF7, lr;
	s5 =	simm.s32 $0xFFFFFFFF;
	p2 =	slt.u32 s8, $0xFFFFF086  }
0x1c: {  	p1 =	slt.u32 s9, $0xF7A;
	s5 =	simm.s32 @!p2 $0x0  }
0x1d: {  	s5 =	simm.s32 @p1 $0x1;
	p0 =	seq.s32 s7, s2  }
0x1e: {  	s7 =	smul.u32 @!p0 $0xF7A, s2;
	p2 =	seq.s32 @!p0 s5, $0x0  }
0x1f: {  	s9 =	smul.u32 $0xF7A, s1;
	s8 =	simm.s32 @!p0 $0x1BF5;
	p2 =	por !p2, p0  }
0x20: {  	[sflag:s8] =	ssyncset.s32 @!p0 $0xFFFFF086;
	s6 =	sadd.s32 @!p0 s3, s7;
	s7 =	simm.s32 @!p0 $0x108  }
0x21: {  	s3 =	sadd.s32 s3, s9;
	s6 =	sadd.s32 @!p0 $0x88, s6;
	s7 =	simm.s32 @p2 $0x1082  }
0x22: {  	[simem:s7], [sflag:s8] =	dma.local @!p0 [hbm:s6], $0xF7A  }
0x23: {  	s9 =	sor.u32 $0xD0000000, s2;
	s6 =	simm.s32 $0x108;
	_ =	swait.ge @!p0 [sflag:s8], $0x0  }
0x24: {  	s3 =	sadd.s32 $0x88, s3;
	s6 =	simm.s32 @!p1 $0x1082;
	[sflag:s4] =	ssyncset.s32 $0xFFFFF086  }
0x25: {  	[simem:s6], [sflag:s4] =	dma.local [hbm:s3], $0xF7A  }
0x26: {  	[smem:$0x3FA0] =	sst s1;
	(tag) =	ssettag s2;
	_ =	strace s9  }
0x27: {  	s1 =	sld [smem:$0x3FB0]  }
0x28: {  	s2 =	sld [smem:$0x3FB1]  }
0x29: {  	s4 =	sld [smem:$0x3FB3]  }
0x2a: {  	p0 =	seq.s32 s5, $0x0;
	s5 =	sld [smem:$0x3FB4]  }
0x2b: {  	s6 =	sld [smem:$0x3FB5]  }
0x2c: {  	s7 =	sld [smem:$0x3FB6]  }
0x2d: {  	s3 =	simm.s32 $0x108;
	s8 =	sld [smem:$0x3FB7]  }
0x2e: {  	s3 =	simm.s32 @!p0 $0x1082;
	s9 =	sld [smem:$0x3FB8]  }
0x2f: {  	lr =	sadd.s32 s0, s3;
	s0 =	sld [smem:$0x3FAF]  }
0x30: {  	s3 =	sld [smem:$0x3FB2]  }
0x31: {  	[smem:$0x3FBB] =	sst s10  }
0x32: {  	s10 =	sld [smem:$0x3FB9];
	_ =	sdelay $0x3  }
0x33: {  	p0 =	seq.s32 s10, $0x1;
	s10 =	sld [smem:$0x3FBB];
	_ =	sdelay $0x3  }
0x34: {  	[smem:$0x3FBB] =	sst s10  }
0x35: {  	s10 =	sld [smem:$0x3FBA];
	_ =	sdelay $0x3  }
0x36: {  	p1 =	seq.s32 s10, $0x1;
	s10 =	sld [smem:$0x3FBB];
	_ =	sdelay $0x3  }
0x37: {  	[smem:$0x3FBB] =	sst s10  }
0x38: {  	s10 =	sld [smem:$0x3FBC]  }
0x39: {  	_ = 	snop;
	(pc) =	sbr.ind lr, $3  }
0x3a: {  	_ = 	snop  }
0x3b: {  	_ = 	snop  }
0x3c: {  	p2 =	seq.s32 s10, $0x1;
	s10 =	sld [smem:$0x3FBB]  }
0x3d: {  	_ =	shalt  }
0x3e: {  	_ =	shalt  }
0x3f: {  	_ =	shalt  }
0x40: {  	_ =	shalt  }
0x41: {  	_ =	shalt  }
0x42: {  	_ =	shalt  }
0x43: {  	_ =	shalt  }
0x44: {  	_ =	shalt  }
0x45: {  	_ =	shalt  }
0x46: {  	_ =	shalt  }
0x47: {  	_ =	shalt  }
0x48: {  	_ =	shalt  }
0x49: {  	_ =	shalt  }
0x4a: {  	_ =	shalt  }
0x4b: {  	_ =	shalt  }
0x4c: {  	_ =	shalt  }
0x4d: {  	_ =	shalt  }
0x4e: {  	_ =	shalt  }
0x4f: {  	_ =	shalt  }
0x50: {  	_ =	shalt  }
0x51: {  	_ =	shalt  }
0x52: {  	_ =	shalt  }
0x53: {  	_ =	shalt  }
0x54: {  	_ =	shalt  }
0x55: {  	_ =	shalt  }
0x56: {  	_ =	shalt  }
0x57: {  	_ =	shalt  }
0x58: {  	_ =	shalt  }
0x59: {  	_ =	shalt  }
0x5a: {  	_ =	shalt  }
0x5b: {  	_ =	shalt  }
0x5c: {  	_ =	shalt  }
0x5d: {  	_ =	shalt  }
0x5e: {  	_ =	shalt  }
0x5f: {  	_ =	shalt  }
0x60: {  	_ =	shalt  }
0x61: {  	_ =	shalt  }
0x62: {  	_ =	shalt  }
0x63: {  	_ =	shalt  }
0x64: {  	_ =	shalt  }
0x65: {  	_ =	shalt  }
0x66: {  	_ =	shalt  }
0x67: {  	_ =	shalt  }
0x68: {  	_ =	shalt  }
0x69: {  	_ =	shalt  }
0x6a: {  	_ =	shalt  }
0x6b: {  	_ =	shalt  }
0x6c: {  	_ =	shalt  }
0x6d: {  	_ =	shalt  }
0x6e: {  	_ =	shalt  }
0x6f: {  	_ =	shalt  }
0x70: {  	_ =	shalt  }
0x71: {  	_ =	shalt  }
0x72: {  	_ =	shalt  }
0x73: {  	_ =	shalt  }
0x74: {  	_ =	shalt  }
0x75: {  	_ =	shalt  }
0x76: {  	_ =	shalt  }
0x77: {  	_ =	shalt  }
0x78: {  	_ =	shalt  }
0x79: {  	_ =	shalt  }
0x7a: {  	_ =	shalt  }
0x7b: {  	_ =	shalt  }
0x7c: {  	_ =	shalt  }
0x7d: {  	_ =	shalt  }
0x7e: {  	_ =	shalt  }
0x7f: {  	_ =	shalt  }
0x80: {  	_ =	shalt  }
0x81: {  	_ =	shalt  }
0x82: {  	_ =	shalt  }
0x83: {  	_ =	shalt  }
0x84: {  	_ =	shalt  }
0x85: {  	_ =	shalt  }
0x86: {  	_ =	shalt  }
0x87: {  	_ =	shalt  }
.Lfunc_end0:
.L_simem_size_0:
called_computation_lowered:
.L_overlay_start_0:
0x88: {  	s2 =	sld [smem:$0x3FD9]  }
0x89: {  	s3 =	sld [smem:$0x3FFE];
	_ =	sdelay $0x1  }
0x8a: {  	s1 =	srdreg.scid  }
0x8b: {  	s0 =	sand.u32 $0x1, s1  }
0x8c: {  	s17 =	sshll.u32 s0, $0xA;
	s2 =	sadd.s32 s3, s2  }
0x8d: {  	s2 =	sadd.s32 s2, s17  }
0x8e: {  	[smem:$0x3FC7] =	sst s2  }
0x8f: {  	_ = 	snop  }
0x90: {  	s2 =	sld [smem:$0x3FC9];
	(tm) =	ssettm $0x1  }
0x91: {  	s18 =	sld [smem:$0x3FFB];
	_ =	sdelay $0x3  }
0x92: {  	_ =	strace s18  }
0x93: {  	s3 =	sld [smem:$0x3FFC];
	_ =	sdelay $0x3  }
0x94: {  	_ =	strace s3  }
0x95: {  	s3 =	sld [smem:$0x3FFD];
	_ =	sdelay $0x3  }
0x96: {  	_ =	strace s3  }
0x97: {  	_ =	strace $0x8FFFFFFF  }
0x98: {  	s19 =	sld [smem:$0x3FDB];
	_ =	sdelay $0x1  }
0x99: {  	s4 =	simm.s32 $_scs_section_size  }
0x9a: {  	s5 =	simm.s32 $_size__tile_overlayer_lowered;
	s6 =	simm.s32 $_tile_overlayer_lowered  }
0x9b: {  	s22 =	simm.s32 $0x1BFF;
	s21 =	sshll.u32 s6, $0x1;
	s3 =	sadd.s32 s4, s19  }
0x9c: {  	s7 =	simm.s32 $0x0;
	s20 =	sshll.u32 s5, $0x1;
	s5 =	sadd.s32 s21, s3  }
0x9d: {  	[timem:s7], [sflag:s22] =	dma.local [hbm:s5], s20  }
0x9e: {  	_ =	swait.ge [sflag:s22], s20  }
0x9f: {  	s4 =	ssub.s32 $0x0, s20;
	[sflag:s22] =	ssyncset.done $0x0  }
0xa0: {  	[sflag:s22] =	ssyncadd.s32 s4;
	_ =	sdelay $0x1  }
0xa1: {  	s23 =	simm.s32 $0x1B8B  }
0xa2: {  	_ =	swait.ge [sflag:s23], $0x1  }
0xa3: {  	[sflag:s23] =	ssyncset.done $0x0  }
0xa4: {  	s25 =	simm.s32 $0x1B8E;
	s24 =	sld [smem:$0x3FFE];
	[sflag:s23] =	ssyncadd.s32 $0xFFFFFFFF  }
0xa5: {  	s26 =	simm.s32 $execute0_lowered;
	[smem:$0x3FD2] =	sst s25  }
0xa6: {  	s5 =	sshll.u32 s26, $0x1;
	_ =	strace $0x80000046;
	[dreg:$0x1] =	wrdreg $0xFFFFFFFF  }
0xa7: {  	s28 =	simm.s32 $_size_execute0_lowered;
	s3 =	sadd.s32 s3, s5;
	[dreg:$0x0] =	wrdreg $0x0  }
0xa8: {  	s5 =	sshll.u32 s28, $0x1;
	[dreg:$0x2] =	wrdreg s3  }
0xa9: {  	[dreg:$0x3] =	wrdreg s5  }
0xaa: {  	[dreg:$0x4] =	wrdreg $0xC0  }
0xab: {  	_ =	task [dreg:s7], $0x5FFFF  }
0xac: {  	[dreg:$0x1] =	wrdreg $0xFFFFFFFF  }
0xad: {  	[dreg:$0x0] =	wrdreg $0x60  }
0xae: {  	[dreg:$0x2] =	wrdreg s2  }
0xaf: {  	[dreg:$0x3] =	wrdreg s24  }
0xb0: {  	[dreg:$0x4] =	wrdreg $0x21000  }
0xb1: {  	[dreg:$0x5] =	wrdreg $0x9  }
0xb2: {  	_ =	task.clear_ibuf [dreg:s7], $0x6FFFF;
	_ =	strace $0x90000046  }
0xb3: {  	s29 =	simm.s32 $0x9;
	_ =	strace $0x80000048  }
0xb4: {  	_ =	swait.ge [sflag:s29], $0x1  }
0xb5: {  	[sflag:s29] =	ssyncadd.s32 $0xFFFFFFFF  }
0xb6: {  	_ =	strace $0x90000048  }
0xb7: {  	_ =	sfence  }
0xb8: {  	s30 =	sld [smem:$0x0];
	_ =	sdelay $0x2  }
0xb9: {  	s31 =	sshll.u32 s1, $0xD;
	s1 =	sshrl.u32 s1, $0x2  }
0xba: {  	s3 =	sand.u32 $0x4000, s31;
	s1 =	sadd.s32 s1, s30  }
0xbb: {  	s0 =	sor.u32 s3, s0;
	s1 =	sshll.u32 s1, $0x11  }
0xbc: {  	s0 =	sor.u32 s1, s0  }
0xbd: {  	s0 =	sadd.s32 $0x8F2B, s0  }
0xbe: {  	[sflag:s0] =	ssyncadd.remote.s32 $0x1  }
0xbf: {  	_ =	sfence.sel $0xFFFF  }
0xc0: {  	[dreg:$0x0] =	wrdreg $0xFFFFFFFF;
	(pc) =	sbr.abs _section_cstart, $3  }
0xc1: {  	[dreg:$0x1] =	wrdreg $0xFFFFFFFF  }
0xc2: {  	_ =	task.clear_ibuf [dreg:s7], $0x2FFFF;
	_ =	strace $0x9FFFFFFF  }
0xc3: {  	(tm) =	ssettm $0x7FFFFFFF  }
tec
execute0_lowered:
.L_overlay_start_1:
0x0: {  	(tag) =	ssettag $0x1  }
0x1: {  	s3 =	rddreg [dreg:$0x0]  }
0x2: {  	s4 =	rddreg [dreg:$0x1]  }
0x3: {  	s5 =	rddreg [dreg:$0x2]  }
0x4: {  	s1 =	srdreg.scid;
	s0 =	rddreg [dreg:$0x3]  }
0x5: {  	s2 =	simm.s32 $0x0;
	s11 =	simm.s32 $0x2;
	s12 =	simm.s32 $0x0  }
0x6: {  	s6 =	sand.u32 $0x1, s1;
	s1 =	stileid.u32;
	[smem:$0x7FF] =	sst s2  }
0x7: {  	s7 =	sshll.u32 s6, $0x4;
	s6 =	ssub.s32 $0x2, s6;
	s9 =	sand.u32 $0x7, s1  }
0x8: {  	_ =	strace $0x80000047;
	s31 =	sshll.u32 s1, $0x4;
	s7 =	sor.u32 s1, s7  }
0x9: {  	v0 =	vlaneseq.u32;
	s29 =	sshrl.u32 s6, $0x1;
	v1 =	vmov s9;
	p0 =	sne.s32 s9, $0x0;
	s9 =	simm.s32 $0x1  }
0xa: {  	v2 =	vor.u32 $0x20, v0;
	s8 =	sshrl.u32 s7, $0x3;
	s10 =	ssub.s32 s6, s29;
	s30 =	sshll.u32 s7, $0xF  }
0xb: {  	v3 =	vor.u32 $0x30, v0;
	v4 =	vor.u32 $0x40, v0;
	v5 =	vor.u32 $0x50, v0;
	s8 =	sadd.s32 s8, s4;
	s4 =	sadd.s32 s30, s3;
	s3 =	sadd.s32 s31, s5  }
0xc: {  	v6 =	vor.u32 $0x60, v0;
	v7 =	vor.u32 $0x70, v0;
	vm0 =	veq.s32 v1, v0;
	s7 =	smax.u32 s10, $0x1;
	s10 =	simm.s32 $0x2000;
	s4 =	sadd.s32 $0x6070, s4  }
0xd: {  	v1 =	vor.u32 $0x10, v0;
	vm6 =	vcmask @!p0 $0x1720;
	vm7 =	vcmask @!p0 $0x1B20;
	s5 =	sadd.s32 $0x10, s3;
	s6 =	sadd.s32 $0x200, s8;
	s8 =	simm.s32 $0x400  }
.LBB2_1:
0xe: {  	s13 =	simm.s32 $0x80  }
0xf: {  	[tilespmem:s2], [sflag:$0x1] =	stream.strided.gather [hbm4b:s4+s13], $0x2000, s8, s13, $0x38;
	[tilespmem:$0x2110] =	vst v63  }
0x10: {  	_ =	swait.ge [sflag:s9], $0x2000  }
0x11: {  	[sflag:s9] =	ssyncset.done $0x0  }
0x12: {  	[sflag:s9] =	ssyncadd.s32 $0xFFFFE000  }
0x13: {  	v8 =	vld [tilespmem:s13+$0x0]  }
0x14: {  	v9 =	vld [tilespmem:s13+$0xFFFFFF80]  }
0x15: {  	v10 =	vld [tilespmem:s13+$0xFFFFFF90]  }
0x16: {  	v14 =	vld [tilespmem:s13+$0x10]  }
0x17: {  	v12 =	vld [tilespmem:s13+$0x20]  }
0x18: {  	v11 =	vld [tilespmem:s13+$0x30]  }
0x19: {  	v20 =	vimm.f32 $-Inf;
	v19 =	vimm.s32 $0x0;
	v15 =	vld [tilespmem:s13+$0x40]  }
0x1a: {  	v25 =	vimm.f32 $-Inf;
	v26 =	vimm.f32 $-Inf;
	v28 =	vimm.f32 $-Inf;
	v30 =	vld [tilespmem:s13+$0xFFFFFFA0]  }
0x1b: {  	v29 =	vimm.s32 $0x0;
	v27 =	vimm.s32 $0x0;
	v31 =	vld [tilespmem:s13+$0xFFFFFFB0];
	vm9 =	vgt.f32 v9, v20  }
0x1c: {  	v24 =	vimm.s32 $0x0;
	v32 =	vld [tilespmem:s13+$0xFFFFFFC0];
	vm8 =	vgt.f32 v10, v20;
	v9 =	vsel vm9, v9, v20  }
0x1d: {  	v13 =	vld [tilespmem:s13+$0x50];
	v10 =	vsel vm8, v10, v20;
	v18 =	vsel vm8, s2, v19;
	vm8 =	vgt.f32 v8, v9  }
0x1e: {  	s14 =	simm.s32 $0x1;
	v33 =	vld [tilespmem:s13+$0xFFFFFFD0];
	v21 =	vsel vm9, s2, v19;
	vm9 =	vgt.f32 v14, v10;
	v16 =	vsel vm8, v8, v9  }
0x1f: {  	v23 =	vld [tilespmem:s13+$0xFFFFFFE0];
	v17 =	vsel vm9, v14, v10;
	v22 =	vsel vm9, s14, v18;
	v14 =	vimm.f32 $-Inf  }
0x20: {  	s16 =	simm.s32 $0x2;
	s15 =	simm.s32 $0x0;
	v9 =	vimm.f32 $-Inf;
	v10 =	vimm.s32 $0x0;
	v8 =	vimm.s32 $0x0;
	v18 =	vld [tilespmem:s13+$0xFFFFFFF0]  }
.LBB2_2:
0x21: {  	p1 =	sne.s32 s16, $0x3E;
	vm9 =	vgt.f32 v30, v20;
	vm10 =	vgt.f32 v31, v25;
	vm11 =	vgt.f32 v32, v26;
	v34 =	vld [tilespmem:s13+$0x60]  }
0x22: {  	v20 =	vsel vm9, v30, v20;
	v25 =	vsel vm10, v31, v25;
	v26 =	vsel vm11, v32, v26;
	v30 =	vld [tilespmem:s13+$0x70];
	s13 =	sadd.s32 $0x100, s13  }
0x23: {  	v35 =	vld [tilespmem:s13+$0x0];
	vm12 =	vgt.f32 v12, v20;
	vm13 =	vgt.f32 v11, v25;
	vm14 =	vgt.f32 v15, v26  }
0x24: {  	v36 =	vld [tilespmem:s13+$0x10];
	v20 =	vsel vm12, v12, v20;
	v25 =	vsel vm13, v11, v25;
	v26 =	vsel vm14, v15, v26  }
0x25: {  	vm15 =	vgt.f32 v33, v28;
	vm1 =	vgt.f32 v23, v14;
	v12 =	vld [tilespmem:s13+$0x20];
	vm2 =	vgt.f32 v18, v9  }
0x26: {  	v15 =	vsel vm15, v33, v28;
	v14 =	vsel vm1, v23, v14;
	v11 =	vld [tilespmem:s13+$0x30];
	v9 =	vsel vm2, v18, v9  }
0x27: {  	vm3 =	vgt.f32 v13, v15;
	vm4 =	vgt.f32 v34, v14;
	v18 =	vld [tilespmem:s13+$0xFFFFFF80];
	vm5 =	vgt.f32 v30, v9  }
0x28: {  	v28 =	vsel vm3, v13, v15;
	v14 =	vsel vm4, v34, v14;
	v23 =	vld [tilespmem:s13+$0xFFFFFF90];
	v9 =	vsel vm5, v30, v9  }
0x29: {  	v10 =	vsel vm1, s15, v10;
	v13 =	vsel vm15, s15, v19;
	v8 =	vsel vm2, s15, v8;
	v15 =	vld [tilespmem:s13+$0x40]  }
0x2a: {  	v19 =	vsel vm3, s14, v13;
	v10 =	vsel vm4, s14, v10;
	v8 =	vsel vm5, s14, v8;
	v30 =	vld [tilespmem:s13+$0xFFFFFFA0]  }
0x2b: {  	v27 =	vsel vm10, s15, v27;
	v24 =	vsel vm11, s15, v24;
	v13 =	vsel vm9, s15, v29;
	s15 =	smov.u32 s16;
	v31 =	vld [tilespmem:s13+$0xFFFFFFB0]  }
.Ltmp0:
0x2c: {  	v27 =	vsel vm13, s14, v27;
	v24 =	vsel vm14, s14, v24;
	v29 =	vsel vm12, s14, v13;
	v32 =	vld [tilespmem:s13+$0xFFFFFFC0];
	(pc) =	sbr.rel @p1 .LBB2_2-.Ltmp0, $4  }
0x2d: {  	v21 =	vsel vm8, s14, v21;
	vm1 =	vgt.f32 v18, v16;
	vm2 =	vgt.f32 v23, v17;
	v13 =	vld [tilespmem:s13+$0x50]  }
0x2e: {  	v16 =	vsel vm1, v18, v16;
	v17 =	vsel vm2, v23, v17;
	v22 =	vsel vm2, s16, v22;
	v33 =	vld [tilespmem:s13+$0xFFFFFFD0]  }
0x2f: {  	s14 =	sadd.s32 $0x1, s16;
	v21 =	vsel vm1, s16, v21;
	vm8 =	vgt.f32 v35, v16;
	v23 =	vld [tilespmem:s13+$0xFFFFFFE0];
	vm1 =	vgt.f32 v36, v17  }
0x30: {  	s16 =	sadd.s32 $0x2, s16;
	v16 =	vsel vm8, v35, v16;
	v18 =	vld [tilespmem:s13+$0xFFFFFFF0];
	v17 =	vsel vm1, v36, v17;
	v22 =	vsel vm1, s14, v22  }
0x31: {  	vm1 =	vgt.f32 v30, v20;
	v21 =	vsel vm8, s14, v21  }
0x32: {  	v22 =	vshll.u32 v22, $0x7;
	v20 =	vsel vm1, v30, v20;
	v29 =	vsel vm1, s15, v29  }
0x33: {  	vm1 =	vgt.f32 v32, v26;
	v21 =	vshll.u32 v21, $0x7;
	v22 =	vor.u32 v1, v22  }
0x34: {  	vm2 =	vgt.f32 v33, v28;
	v26 =	vsel vm1, v32, v26;
	vm3 =	vgt.f32 v12, v20  }
0x35: {  	v21 =	vor.u32 v0, v21;
	v24 =	vsel vm1, s15, v24;
	vm1 =	veq.f32 v16, v17  }
0x36: {  	v28 =	vsel vm2, v33, v28;
	v19 =	vsel vm2, s15, v19;
	vm2 =	vgt.f32 v31, v25  }
0x37: {  	v12 =	vsel vm3, v12, v20;
	v52 =	vsel vm3, s14, v29;
	v25 =	vsel vm2, v31, v25  }
0x38: {  	v27 =	vsel vm2, s15, v27;
	vm2 =	vlt.s32 v21, v22;
	v20 =	vshll.u32 v52, $0x7  }
0x39: {  	vm1 =	vmand vm1, vm2;
	vm2 =	vgt.f32 v16, v17;
	vm3 =	vgt.f32 v11, v25  }
0x3a: {  	v20 =	vor.u32 v2, v20;
	vm1 =	vmor vm2, vm1;
	vm2 =	vgt.f32 v15, v26  }
0x3b: {  	v11 =	vsel vm3, v11, v25;
	v53 =	vsel vm1, v16, v17;
	v54 =	vsel vm1, v21, v22  }
0x3c: {  	v55 =	vsel vm3, s14, v27;
	vm1 =	veq.f32 v53, v12;
	vm3 =	vlt.s32 v54, v20  }
0x3d: {  	v15 =	vsel vm2, v15, v26;
	vm1 =	vmand vm1, vm3;
	vm3 =	vgt.f32 v53, v12  }
0x3e: {  	v21 =	vshll.u32 v55, $0x7;
	v58 =	vsel vm2, s14, v24;
	vm1 =	vmor vm3, vm1  }
0x3f: {  	v57 =	vor.u32 v3, v21;
	v12 =	vsel vm1, v53, v12;
	v56 =	vsel vm1, v54, v20  }
0x40: {  	v59 =	vld [tilespmem:s13+$0x60];
	vm3 =	vgt.f32 v23, v14;
	vm1 =	veq.f32 v12, v11;
	vm2 =	vlt.s32 v56, v57  }
0x41: {  	v14 =	vsel vm3, v23, v14;
	vm1 =	vmand vm1, vm2;
	vm2 =	vgt.f32 v12, v11  }
0x42: {  	v20 =	vshll.u32 v58, $0x7;
	v10 =	vsel vm3, s15, v10;
	vm1 =	vmor vm2, vm1  }
0x43: {  	v61 =	vor.u32 v4, v20;
	vm2 =	vgt.f32 v13, v28;
	v11 =	vsel vm1, v12, v11  }
0x44: {  	v60 =	vsel vm1, v56, v57;
	v13 =	vsel vm2, v13, v28;
	v19 =	vsel vm2, s14, v19  }
0x45: {  	vm2 =	vgt.f32 v59, v14;
	vm1 =	veq.f32 v11, v15;
	vm3 =	vlt.s32 v60, v61  }
0x46: {  	v14 =	vsel vm2, v59, v14;
	vm1 =	vmand vm1, vm3;
	vm3 =	vgt.f32 v11, v15  }
0x47: {  	v19 =	vshll.u32 v19, $0x7;
	v10 =	vsel vm2, s14, v10;
	vm1 =	vmor vm3, vm1  }
0x48: {  	v62 =	vld [tilespmem:s13+$0x70];
	v63 =	vor.u32 v5, v19;
	v11 =	vsel vm1, v11, v15;
	v12 =	vsel vm1, v60, v61  }
0x49: {  	v10 =	vshll.u32 v10, $0x7;
	vm1 =	veq.f32 v11, v13;
	vm2 =	vlt.s32 v12, v63  }
0x4a: {  	vm3 =	vgt.f32 v18, v9;
	vm1 =	vmand vm1, vm2;
	vm2 =	vgt.f32 v11, v13  }
0x4b: {  	v10 =	vor.u32 v6, v10;
	v9 =	vsel vm3, v18, v9;
	vm1 =	vmor vm2, vm1  }
0x4c: {  	v8 =	vsel vm3, s15, v8;
	v11 =	vsel vm1, v11, v13;
	v12 =	vsel vm1, v12, v63  }
0x4d: {  	vm2 =	vgt.f32 v62, v9;
	vm1 =	veq.f32 v11, v14;
	vm3 =	vlt.s32 v12, v10  }
0x4e: {  	v8 =	vsel vm2, s14, v8;
	vm1 =	vmand vm1, vm3;
	vm3 =	vgt.f32 v11, v14  }
0x4f: {  	v9 =	vsel vm2, v62, v9;
	v8 =	vshll.u32 v8, $0x7;
	vm1 =	vmor vm3, vm1  }
0x50: {  	v8 =	vor.u32 v7, v8;
	v11 =	vsel vm1, v11, v14;
	v10 =	vsel vm1, v12, v10  }
0x51: {  	vm1 =	veq.f32 v11, v9;
	vm2 =	vlt.s32 v10, v8  }
0x52: {  	vm1 =	vmand vm1, vm2;
	vm2 =	vgt.f32 v11, v9  }
0x53: {  	vm1 =	vmor vm2, vm1  }
0x54: {  	v9 =	vsel vm1, v11, v9  }
0x55: {  	v8 =	vsel vm1, v10, v8;
	(v2sf) =	vpush v9, $0x0  }
0x56: {  	(v2sf) =	vpush v8, $0x0;
	_ =	sdelay $0x1  }
0x57: {  	(v2sf) =	vpush v9, $0x1  }
0x58: {  	(v2sf) =	vpush v8, $0x1;
	_ =	sdelay $0x4  }
0x59: {  	(v2sf) =	vpush v9, $0x2  }
0x5a: {  	(v2sf) =	vpush v8, $0x2;
	_ =	sdelay $0x4  }
0x5b: {  	s14 =	spop (v2sf);
	(v2sf) =	vpush v9, $0x3  }
0x5c: {  	s13 =	spop (v2sf);
	(v2sf) =	vpush v8, $0x3;
	_ =	sdelay $0x1  }
0x5d: {  	s15 =	spop (v2sf)  }
0x5e: {  	s16 =	spop (v2sf);
	p1 =	seq.f32 s15, s14  }
0x5f: {  	p2 =	slt.s32 s16, s13  }
0x60: {  	(v2sf) =	vpush v9, $0x4;
	p3 =	sgt.f32 s15, s14;
	p1 =	por !p1, !p2  }
0x61: {  	p1 =	por !p1, !p1  }
0x62: {  	p1 =	por p3, p1  }
0x63: {  	(v2sf) =	vpush v8, $0x4;
	s14 =	smov.u32 @p1 s15;
	s15 =	spop (v2sf)  }
0x64: {  	s13 =	smov.u32 @p1 s16;
	s16 =	spop (v2sf);
	p4 =	seq.f32 s15, s14  }
0x65: {  	p5 =	slt.s32 s16, s13  }
0x66: {  	p6 =	sgt.f32 s15, s14;
	p1 =	por !p4, !p5  }
0x67: {  	p1 =	por !p1, !p1  }
0x68: {  	(v2sf) =	vpush v9, $0x5;
	p1 =	por p6, p1  }
0x69: {  	(v2sf) =	vpush v8, $0x5;
	s14 =	smov.u32 @p1 s15;
	s15 =	spop (v2sf)  }
0x6a: {  	s13 =	smov.u32 @p1 s16;
	s16 =	spop (v2sf);
	p4 =	seq.f32 s15, s14  }
0x6b: {  	p5 =	slt.s32 s16, s13  }
0x6c: {  	p6 =	sgt.f32 s15, s14;
	p1 =	por !p4, !p5  }
0x6d: {  	p1 =	por !p1, !p1  }
0x6e: {  	(v2sf) =	vpush v9, $0x6;
	p1 =	por p6, p1  }
0x6f: {  	s14 =	smov.u32 @p1 s15;
	s15 =	spop (v2sf);
	(v2sf) =	vpush v8, $0x6;
	_ =	sdelay $0x2  }
0x70: {  	s13 =	smov.u32 @p1 s16;
	s16 =	spop (v2sf);
	p4 =	seq.f32 s15, s14  }
0x71: {  	p5 =	slt.s32 s16, s13  }
0x72: {  	p6 =	sgt.f32 s15, s14;
	(v2sf) =	vpush v9, $0x7;
	p1 =	por !p4, !p5  }
0x73: {  	p1 =	por !p1, !p1  }
0x74: {  	p1 =	por p6, p1  }
0x75: {  	s14 =	smov.u32 @p1 s15;
	s15 =	spop (v2sf);
	(v2sf) =	vpush v8, $0x7  }
0x76: {  	s13 =	smov.u32 @p1 s16;
	s16 =	spop (v2sf);
	p4 =	seq.f32 s15, s14  }
0x77: {  	p5 =	slt.s32 s16, s13  }
0x78: {  	p6 =	sgt.f32 s15, s14;
	p1 =	por !p4, !p5  }
0x79: {  	p1 =	por !p1, !p1  }
0x7a: {  	(v2sf) =	vpush v9, $0x8;
	p1 =	por p6, p1  }
0x7b: {  	s14 =	smov.u32 @p1 s15;
	s15 =	spop (v2sf);
	(v2sf) =	vpush v8, $0x8  }
0x7c: {  	s13 =	smov.u32 @p1 s16;
	p4 =	seq.f32 s15, s14;
	s16 =	spop (v2sf)  }
0x7d: {  	p5 =	slt.s32 s16, s13  }
0x7e: {  	p6 =	sgt.f32 s15, s14;
	p1 =	por !p4, !p5  }
0x7f: {  	p1 =	por !p1, !p1  }
0x80: {  	(v2sf) =	vpush v9, $0x9;
	p1 =	por p6, p1  }
0x81: {  	s14 =	smov.u32 @p1 s15;
	s15 =	spop (v2sf);
	(v2sf) =	vpush v8, $0x9;
	_ =	sdelay $0x2  }
0x82: {  	s13 =	smov.u32 @p1 s16;
	s16 =	spop (v2sf);
	p4 =	seq.f32 s15, s14  }
0x83: {  	p5 =	slt.s32 s16, s13  }
0x84: {  	p6 =	sgt.f32 s15, s14;
	(v2sf) =	vpush v9, $0xA;
	p1 =	por !p4, !p5  }
0x85: {  	p1 =	por !p1, !p1  }
0x86: {  	p1 =	por p6, p1  }
0x87: {  	s14 =	smov.u32 @p1 s15;
	s15 =	spop (v2sf);
	(v2sf) =	vpush v8, $0xA  }
0x88: {  	s13 =	smov.u32 @p1 s16;
	s16 =	spop (v2sf);
	p4 =	seq.f32 s15, s14  }
0x89: {  	p5 =	slt.s32 s16, s13  }
0x8a: {  	p6 =	sgt.f32 s15, s14;
	p1 =	por !p4, !p5  }
0x8b: {  	p1 =	por !p1, !p1  }
0x8c: {  	(v2sf) =	vpush v9, $0xB;
	p1 =	por p6, p1  }
0x8d: {  	s14 =	smov.u32 @p1 s15;
	s15 =	spop (v2sf);
	(v2sf) =	vpush v8, $0xB  }
0x8e: {  	s13 =	smov.u32 @p1 s16;
	p4 =	seq.f32 s15, s14;
	s16 =	spop (v2sf)  }
0x8f: {  	p5 =	slt.s32 s16, s13  }
0x90: {  	p6 =	sgt.f32 s15, s14;
	p1 =	por !p4, !p5  }
0x91: {  	p1 =	por !p1, !p1  }
0x92: {  	(v2sf) =	vpush v9, $0xC;
	p1 =	por p6, p1  }
0x93: {  	s14 =	smov.u32 @p1 s15;
	s15 =	spop (v2sf);
	(v2sf) =	vpush v8, $0xC;
	_ =	sdelay $0x2  }
0x94: {  	s13 =	smov.u32 @p1 s16;
	s16 =	spop (v2sf);
	p4 =	seq.f32 s15, s14  }
0x95: {  	p5 =	slt.s32 s16, s13  }
0x96: {  	p6 =	sgt.f32 s15, s14;
	(v2sf) =	vpush v9, $0xD;
	p1 =	por !p4, !p5  }
0x97: {  	(v2sf) =	vpush v8, $0xD;
	p1 =	por !p1, !p1  }
0x98: {  	p1 =	por p6, p1  }
0x99: {  	s14 =	smov.u32 @p1 s15;
	s15 =	spop (v2sf)  }
0x9a: {  	s13 =	smov.u32 @p1 s16;
	s16 =	spop (v2sf);
	p4 =	seq.f32 s15, s14  }
0x9b: {  	p5 =	slt.s32 s16, s13  }
0x9c: {  	(v2sf) =	vpush v9, $0xE;
	p6 =	sgt.f32 s15, s14;
	p1 =	por !p4, !p5  }
0x9d: {  	(v2sf) =	vpush v8, $0xE;
	p1 =	por !p1, !p1  }
0x9e: {  	p1 =	por p6, p1  }
0x9f: {  	s14 =	smov.u32 @p1 s15;
	s15 =	spop (v2sf)  }
0xa0: {  	s13 =	smov.u32 @p1 s16;
	p4 =	seq.f32 s15, s14;
	s16 =	spop (v2sf)  }
0xa1: {  	(v2sf) =	vpush v9, $0xF;
	p5 =	slt.s32 s16, s13  }
0xa2: {  	p6 =	sgt.f32 s15, s14;
	(v2sf) =	vpush v8, $0xF;
	p1 =	por !p4, !p5  }
0xa3: {  	p1 =	por !p1, !p1  }
0xa4: {  	p1 =	por p6, p1  }
0xa5: {  	s17 =	spop (v2sf);
	s14 =	smov.u32 @p1 s15  }
0xa6: {  	s15 =	spop (v2sf);
	s13 =	smov.u32 @p1 s16;
	p4 =	seq.f32 s17, s14  }
0xa7: {  	p5 =	slt.s32 s15, s13  }
0xa8: {  	p6 =	sgt.f32 s17, s14;
	p1 =	por !p4, !p5  }
0xa9: {  	p1 =	por !p1, !p1  }
0xaa: {  	p1 =	por p6, p1  }
0xab: {  	s16 =	spop (v2sf);
	s14 =	smov.u32 @p1 s17  }
0xac: {  	s17 =	spop (v2sf);
	s13 =	smov.u32 @p1 s15;
	p4 =	seq.f32 s16, s14  }
0xad: {  	p5 =	slt.s32 s17, s13  }
0xae: {  	p6 =	sgt.f32 s16, s14;
	p1 =	por !p4, !p5  }
0xaf: {  	p1 =	por !p1, !p1  }
0xb0: {  	s31 =	spop (v2sf);
	p1 =	por p6, p1  }
0xb1: {  	s14 =	smov.u32 @p1 s16;
	s13 =	smov.u32 @p1 s17;
	s16 =	spop (v2sf)  }
0xb2: {  	p1 =	seq.f32 s31, s14;
	p2 =	slt.s32 s16, s13;
	s17 =	smov.u32 s13  }
0xb3: {  	p3 =	sgt.f32 s31, s14;
	s17 =	smov.u32 @p2 s16  }
0xb4: {  	s13 =	smov.u32 @p1 s17  }
0xb5: {  	s13 =	smov.u32 @p3 s16  }
0xb6: {  	v8 =	vmov s13  }
0xb7: {  	v8 =	vnsel vm0, $0x0, v8  }
0xb8: {  	[tilespmem:$0x2000] =	vst v8  }
0xb9: {  	[spmem:s3] =	stream.linear.scatter [tilespmem:s10], [sflag:$0x2], $0x10, $0x38;
	[tilespmem:$0x2110] =	vst v63  }
0xba: {  	_ =	swait.ge [sflag:s11], $0x10  }
0xbb: {  	[sflag:s11] =	ssyncset.done $0x0  }
0xbc: {  	[sflag:s11] =	ssyncadd.s32 $0xFFFFFFF0  }
0xbd: {  	s13 =	simm.s32 @!p0 $0x2080;
	[bflag:$0x0] =	sbarrier.arrive $0xFFFF  }
0xbe: {  	[tilespmem:s13], [sflag:$0x2] =	stream.linear.gather @!p0 [spmem:s5], $0x70, $0x38;
	[tilespmem:$0x2110] =	vst v63  }
0xbf: {  	s13 =	simm.s32 @!p0 $0x2  }
0xc0: {  	_ =	swait.ge @!p0 [sflag:s13], $0x70  }
0xc1: {  	[sflag:s13] =	ssyncset.done @!p0 $0x0  }
0xc2: {  	[sflag:s13] =	ssyncadd.s32 @!p0 $0xFFFFFF90  }
0xc3: {  	v9 =	vld @!p0 [tilespmem:$0x2080]  }
0xc4: {  	v10 =	vld @!p0 [tilespmem:$0x2090]  }
0xc5: {  	v11 =	vld @!p0 [tilespmem:$0x20A0]  }
0xc6: {  	v12 =	vld @!p0 [tilespmem:$0x20B0]  }
0xc7: {  	vm1 =	vcmask @!p0 $0x320;
	v13 =	vld @!p0 [tilespmem:$0x20C0]  }
0xc8: {  	v8 =	vsel @!p0 vm1, v8, v9;
	v9 =	vld @!p0 [tilespmem:$0x20D0];
	vm1 =	vcmask @!p0 $0x720  }
0xc9: {  	v8 =	vsel @!p0 vm1, v8, v10;
	v10 =	vld @!p0 [tilespmem:$0x20E0];
	vm1 =	vcmask @!p0 $0xB20  }
0xca: {  	v8 =	vsel @!p0 vm1, v8, v11;
	vm1 =	vcmask @!p0 $0xF20  }
0xcb: {  	v8 =	vsel @!p0 vm1, v8, v12;
	vm1 =	vcmask @!p0 $0x1320  }
0xcc: {  	v8 =	vsel @!p0 vm1, v8, v13  }
0xcd: {  	s12 =	sadd.s32 $0x1, s12;
	v8 =	vsel @!p0 vm6, v8, v9  }
0xce: {  	p1 =	sne.s32 s12, s7;
	v8 =	vsel @!p0 vm7, v8, v10  }
.Ltmp1:
0xcf: {  	s15 =	simm.s32 @!p0 $0x2000;
	s14 =	simm.s32 @!p0 $0x0;
	[tilespmem:$0x2000] =	vst @!p0 v8;
	(pc) =	sbr.rel @p1 .LBB2_1-.Ltmp1, $4  }
0xd0: {  	[hbm4b:s6+s14] =	stream.linear.scatter @!p0 [tilespmem:s15], [sflag:$0x2], $0x8, $0x38;
	[tilespmem:$0x2110] =	vst v63  }
0xd1: {  	_ =	swait.ge @!p0 [sflag:s13], $0x8  }
0xd2: {  	[sflag:s13] =	ssyncset.done @!p0 $0x0  }
0xd3: {  	[sflag:s13] =	ssyncadd.s32 @!p0 $0xFFFFFFF8  }
0xd4: {  	_ =	sfence.sel $0x180000  }
0xd5: {  	[bflag:$0x0] =	sbarrier.arrive $0xFFFF  }
0xd6: {  	p0 =	sne.s32 s1, $0x0;
	_ =	strace $0x90000047  }
0xd7: {  	s0 =	sadd.s32 @!p0 $0x100000, s0;
	[bflag:$0x2] =	sbarrier.arrive $0xFFFF  }
0xd8: {  	[sflag:s0] =	ssyncadd.tile.s32 @!p0 $0x1;
	_ =	shalt  }
.Lfunc_end2:
_tile_overlayer_lowered:
.L_overlay_start_2:
0xd9: {  	(tag) =	ssettag $0x2  }
0xda: {  	s0 =	rddreg [dreg:$0x0];
	s2 =	stileid.u32  }
0xdb: {  	s1 =	rddreg [dreg:$0x1];
	p0 =	sne.s32 s2, $0x0  }
0xdc: {  	s3 =	rddreg [dreg:$0x2];
	[bflag:$0x3] =	sbarrier.arrive $0xFFFF;
	s2 =	simm.s32 @!p0 $0x1C02  }
0xdd: {  	[timem:s3], [sflag:s2] =	dma.local @!p0 [hbm:s0], s1  }
0xde: {  	s0 =	simm.s32 @!p0 $0x2  }
0xdf: {  	_ =	swait.ge @!p0 [sflag:s0], s1  }
0xe0: {  	s1 =	ssub.s32 @!p0 $0x0, s1;
	[sflag:s0] =	ssyncset.done @!p0 $0x0  }
0xe1: {  	[sflag:s0] =	ssyncadd.s32 @!p0 s1  }
0xe2: {  	[bflag:$0x3] =	sbarrier.arrive $0xFFFF  }
0xe3: {  	_ =	shalt  }

</sc_bundles>
